<compile_context>
chip_gen: v7x
topology: tpu7x:2x2x1
jax: 0.10.2.dev20260603
libtpu: 0.0.44.dev20260713+nightly
codegen_flags: <defaults>
</compile_context>

<pallas_src>
import functools

import jax
import jax.numpy as jnp
from jax import lax
from jax.experimental import pallas as pl
from jax.experimental.pallas import tpu as pltpu
from jax.experimental.pallas import tpu_sc as plsc
from jax._src.pallas import core as _pallas_core
from jax._src.pallas import mpmd as _mpmd
from jax._src.pallas.mosaic import core as _tpu_core

EMB_SIZE = 100000
EMB_DIM = 128
BATCH = 1024
HIST = 200

_B = BATCH * HIST

_info = plsc.get_sparse_core_info()
_NC = _info.num_cores
_NS = _info.num_subcores
_RPW = _B // (_NC * _NS)
_CHUNK = 80
_NCHUNK = _RPW // _CHUNK
_ROUND = _NS * _CHUNK
_NBUF = 4
_AHEAD = 3
_SSLOT = 7


def _make_kernel():
  tec_mesh = plsc.VectorSubcoreMesh(core_axis_name="c", subcore_axis_name="s")
  scs_mesh = plsc.ScalarSubcoreMesh(axis_name="c", num_cores=_NC)

  tec_vmem = _pallas_core.CoreMemorySpace(_tpu_core.MemorySpace.VMEM, tec_mesh)
  tec_sem = _pallas_core.CoreMemorySpace(
      _tpu_core.MemorySpace.SEMAPHORE, tec_mesh)
  scs_sem = _pallas_core.CoreMemorySpace(
      _tpu_core.MemorySpace.SEMAPHORE, scs_mesh)

  def tec_fn(idx_hbm, table_hbm, out_hbm, idx_v, rows_v, spm, gsem, osem,
             rdy, fsem, dsem):
    del dsem
    c = lax.axis_index("c")
    s = lax.axis_index("s")
    tid = c * _NS + s
    ibase = pl.multiple_of(tid * _RPW, _CHUNK)

    pltpu.sync_copy(idx_hbm.at[pl.ds(ibase, _RPW)], idx_v)

    def start_gather(j, slot):
      ioff = pl.multiple_of(j * _CHUNK, _CHUNK)
      pltpu.async_copy(table_hbm.at[idx_v.at[pl.ds(ioff, _CHUNK)]],
                       rows_v.at[slot], gsem.at[slot])

    for j in range(_AHEAD):
      start_gather(j, j)

    def round_body(j, _):
      slot = lax.rem(j, _NBUF)
      ss = lax.rem(j, _SSLOT)

      ioff = pl.multiple_of(j * _CHUNK, _CHUNK)
      pltpu.make_async_copy(table_hbm.at[idx_v.at[pl.ds(ioff, _CHUNK)]],
                            rows_v.at[slot], gsem.at[slot]).wait()

      soff = pl.multiple_of(s * _CHUNK, _CHUNK)

      @pl.when(j >= 1)
      def _():
        pslot = lax.rem(j - 1, _NBUF)
        pltpu.make_async_copy(
            rows_v.at[pslot],
            spm.at[lax.rem(j - 1, _SSLOT)].at[pl.ds(soff, _CHUNK)],
            osem.at[pslot]).wait()
        pltpu.semaphore_signal(rdy.at[lax.rem(j - 1, _SSLOT)], 1)

      @pl.when(j >= _SSLOT)
      def _():
        @pl.when(s == 0)
        def _():
          pltpu.semaphore_wait(fsem.at[ss], 1)

        plsc.subcore_barrier()

      pltpu.async_copy(rows_v.at[slot], spm.at[ss].at[pl.ds(soff, _CHUNK)],
                       osem.at[slot])

      @pl.when(j + _AHEAD < _NCHUNK)
      def _():
        start_gather(j + _AHEAD, lax.rem(j + _AHEAD, _NBUF))

      return 0

    lax.fori_loop(0, _NCHUNK, round_body, 0, unroll=2)

    lj = _NCHUNK - 1
    lsoff = pl.multiple_of(s * _CHUNK, _CHUNK)
    pltpu.make_async_copy(rows_v.at[lj % _NBUF],
                          spm.at[lj % _SSLOT].at[pl.ds(lsoff, _CHUNK)],
                          osem.at[lj % _NBUF]).wait()
    pltpu.semaphore_signal(rdy.at[lj % _SSLOT], 1)

  def scs_fn(idx_hbm, table_hbm, out_hbm, idx_v, rows_v, spm, gsem, osem,
             rdy, fsem, dsem):
    c = lax.axis_index("c")
    obase = pl.multiple_of(c * _NCHUNK * _ROUND, _ROUND)
    _WIN = 2

    def round_body(j, _):
      ss = lax.rem(j, _SSLOT)
      pltpu.semaphore_wait(rdy.at[ss], _NS)
      off = pl.multiple_of(obase + j * _ROUND, _ROUND)
      pltpu.async_copy(spm.at[ss], out_hbm.at[pl.ds(off, _ROUND)],
                       dsem.at[ss])

      @pl.when(j >= _WIN)
      def _():
        pss = lax.rem(j - _WIN, _SSLOT)
        poff = pl.multiple_of(obase + (j - _WIN) * _ROUND, _ROUND)
        pltpu.make_async_copy(spm.at[pss], out_hbm.at[pl.ds(poff, _ROUND)],
                              dsem.at[pss]).wait()
        pltpu.semaphore_signal(fsem.at[pss], 1, device_id={"s": 0})

      return 0

    lax.fori_loop(0, _NCHUNK, round_body, 0)

    for t in range(_WIN):
      j = _NCHUNK - _WIN + t
      off = pl.multiple_of(obase + j * _ROUND, _ROUND)
      pltpu.make_async_copy(spm.at[j % _SSLOT], out_hbm.at[pl.ds(off, _ROUND)],
                            dsem.at[j % _SSLOT]).wait()

  return _mpmd.mpmd_map(
      [(scs_mesh, scs_fn), (tec_mesh, tec_fn)],
      out_types=jax.ShapeDtypeStruct((_B, EMB_DIM), jnp.float32),
      scratch_types=[
          tec_vmem((_RPW,), jnp.int32),
          tec_vmem((_NBUF, _CHUNK, EMB_DIM), jnp.float32),
          pltpu.VMEM_SHARED((_SSLOT, _ROUND, EMB_DIM), jnp.float32),
          tec_sem((_NBUF,), _tpu_core.SemaphoreType.DMA.dtype),
          tec_sem((_NBUF,), _tpu_core.SemaphoreType.DMA.dtype),
          scs_sem((_SSLOT,), _tpu_core.SemaphoreType.REGULAR.dtype),
          tec_sem((_SSLOT,), _tpu_core.SemaphoreType.REGULAR.dtype),
          scs_sem((_SSLOT,), _tpu_core.SemaphoreType.DMA.dtype),
      ],
  )


_gather = _make_kernel()


@jax.jit
def kernel(x, table):
  idx = (x.reshape(_NC, _NCHUNK, _NS, _CHUNK)
         .transpose(0, 2, 1, 3)
         .reshape(_B)
         .astype(jnp.int32))
  out = _gather(idx, table)
  return out.reshape(BATCH, HIST, EMB_DIM)

# --- scband reference (transcript-rebuilt; emitter-appended) ---
"""Pipeline reference for scband-base-model-45664092291569 (READ-ONLY COPY).

The authoritative reference and input builder live on the scoring server;
editing this copy changes nothing except your own understanding.
"""

import jax, jax.numpy as jnp
import numpy as np

EMB_SIZE = 100000
EMB_DIM = 128
BATCH = 1024
HIST = 200

def setup_inputs(seed: int = 0) -> dict:
    key = jax.random.key(seed)
    k_idx, k_tab = jax.random.split(key)
    x = jax.random.randint(k_idx, (BATCH, HIST), 0, EMB_SIZE, dtype=jnp.int64 if jax.config.jax_enable_x64 else jnp.int32)
    # Embedding table initialized like init_weights(): uniform(-0.5, 0.5)
    table = jax.random.uniform(k_tab, (EMB_SIZE, EMB_DIM), dtype=jnp.float32, minval=-0.5, maxval=0.5)
    return {"x": x, "table": table}

def reference(x, table):
    # Faithful translation of the module's embedding lookup forward path.
    # nn.Embedding(emb_size, emb_dimension)(x) -> table[x]
    # Dropout at inference (dropout_test, p=0.0) is identity; training-mode
    # dropout is stochastic and omitted for a deterministic reference.
    emb = jnp.take(table, x, axis=0)  # [BATCH, HIST, EMB_DIM]
    return emb

if __name__ == "__main__":
    import jax
    _d = setup_inputs()
    print(jax.jit(kernel)(*tuple(_d.values())))

</pallas_src>

<mosaic_0001>
#map = affine_map<(d0) -> (0)>
#map1 = affine_map<(d0) -> (0, 0)>
#map2 = affine_map<(d0, d1) -> (0)>
#map3 = affine_map<(d0, d1) -> (0, 0)>
module attributes {stable_mosaic.version = 14 : i64} {
  func.func @scs_fn(%arg0: i32, %arg1: memref<204800xi32, #tpu.memory_space<hbm>>, %arg2: memref<100000x128xf32, #tpu.memory_space<hbm>>, %arg3: memref<204800x128xf32, #tpu.memory_space<hbm>>, %arg4: memref<6400xi32, #tpu.memory_space<vmem, sc_vector_subcore>>, %arg5: memref<4x80x128xf32, #tpu.memory_space<vmem, sc_vector_subcore>>, %arg6: memref<7x1280x128xf32, #tpu.memory_space<vmem_shared>>, %arg7: memref<4x!tpu.dma_semaphore, #tpu.memory_space<semaphore_mem, sc_vector_subcore>>, %arg8: memref<4x!tpu.dma_semaphore, #tpu.memory_space<semaphore_mem, sc_vector_subcore>>, %arg9: memref<7x!tpu.semaphore, #tpu.memory_space<semaphore_mem>>, %arg10: memref<7x!tpu.semaphore, #tpu.memory_space<semaphore_mem, sc_vector_subcore>>, %arg11: memref<7x!tpu.dma_semaphore, #tpu.memory_space<semaphore_mem>>) attributes {dimension_semantics = [#tpu.dimension_semantics<core_parallel>], iteration_bounds = array<i64: 2>, scalar_prefetch = 0 : i64, scratch_operands = 8 : i64, tpu.core_type = #tpu.core_type<sc_scalar_subcore>, window_params = [{transform_indices = #map}, {transform_indices = #map1}, {transform_indices = #map1}]} {
    %mul3A = arith.constant 80 : i32
    %mul3A_0 = arith.muli %arg0, %mul3A : i32
    %mul3A_1 = arith.constant 1280 : i32
    %mul3A_2 = arith.muli %mul3A_0, %mul3A_1 : i32
    %multiple_of3A = tpu.assume_multiple %mul3A_2, 1280 : i32
    %scan3A = arith.constant 0 : i32
    %scan3A_3 = arith.constant 0 : i32
    %scan3A_4 = arith.constant 80 : i32
    %scan3A_5 = arith.addi %scan3A_3, %scan3A_4 : i32
    %scan3A_6 = arith.constant 1 : i32
    %scan3A_7 = scf.for %scan3A_33 = %scan3A_3 to %scan3A_5 step %scan3A_6 iter_args(%scan3A_34 = %scan3A) -> (i32)  : i32 {
      %rem3A = arith.constant 7 : i32
      %rem3A_35 = arith.remsi %scan3A_33, %rem3A : i32
      %semaphore_wait3A = arith.constant 16 : i32
      %semaphore_wait3A_36 = arith.constant true
      %semaphore_wait3A_37 = tpu.memref_slice %arg9[%rem3A_35] : memref<7x!tpu.semaphore, #tpu.memory_space<semaphore_mem>> -> memref<1x!tpu.semaphore, #tpu.memory_space<semaphore_mem>>
      %semaphore_wait3A_38 = tpu.memref_squeeze %semaphore_wait3A_37 : memref<1x!tpu.semaphore, #tpu.memory_space<semaphore_mem>> -> memref<!tpu.semaphore, #tpu.memory_space<semaphore_mem>>
      tpu.sem_wait %semaphore_wait3A_38, %semaphore_wait3A : memref<!tpu.semaphore, #tpu.memory_space<semaphore_mem>>
      %mul3A_39 = arith.constant 1280 : i32
      %mul3A_40 = arith.muli %scan3A_33, %mul3A_39 : i32
      %add3A_41 = arith.addi %multiple_of3A, %mul3A_40 : i32
      %multiple_of3A_42 = tpu.assume_multiple %add3A_41, 1280 : i32
      %dma_start3A = tpu.memref_slice %arg11[%rem3A_35] : memref<7x!tpu.dma_semaphore, #tpu.memory_space<semaphore_mem>> -> memref<1x!tpu.dma_semaphore, #tpu.memory_space<semaphore_mem>>
      %dma_start3A_43 = tpu.memref_squeeze %dma_start3A : memref<1x!tpu.dma_semaphore, #tpu.memory_space<semaphore_mem>> -> memref<!tpu.dma_semaphore, #tpu.memory_space<semaphore_mem>>
      %dma_start3A_44 = arith.constant 0 : i32
      %dma_start3A_45 = tpu.memref_slice %arg3[%multiple_of3A_42, %dma_start3A_44] : memref<204800x128xf32, #tpu.memory_space<hbm>> -> memref<1280x128xf32, #tpu.memory_space<hbm>>
      %dma_start3A_46 = arith.constant 0 : i32
      %dma_start3A_47 = arith.constant 0 : i32
      %dma_start3A_48 = tpu.memref_slice %arg6[%rem3A_35, %dma_start3A_46, %dma_start3A_47] : memref<7x1280x128xf32, #tpu.memory_space<vmem_shared>> -> memref<1x1280x128xf32, #tpu.memory_space<vmem_shared>>
      %dma_start3A_49 = tpu.memref_squeeze %dma_start3A_48 : memref<1x1280x128xf32, #tpu.memory_space<vmem_shared>> -> memref<1280x128xf32, #tpu.memory_space<vmem_shared>>
      tpu.enqueue_dma source(%dma_start3A_49 : memref<1280x128xf32, #tpu.memory_space<vmem_shared>>) target(%dma_start3A_45 : memref<1280x128xf32, #tpu.memory_space<hbm>>) target_semaphore(%dma_start3A_43 : memref<!tpu.dma_semaphore, #tpu.memory_space<semaphore_mem>>)
      %ge3A = arith.constant 2 : i32
      %ge3A_50 = arith.cmpi sge, %scan3A_33, %ge3A : i32
      %convert_element_type3A = arith.extui %ge3A_50 : i1 to i32
      %cond3A = arith.constant 0 : i32
      %cond3A_51 = arith.cmpi ne, %convert_element_type3A, %cond3A : i32
      scf.if %cond3A_51 {
        %sub3A = arith.constant 2 : i32
        %sub3A_53 = arith.subi %scan3A_33, %sub3A : i32
        %rem3A_54 = arith.constant 7 : i32
        %rem3A_55 = arith.remsi %sub3A_53, %rem3A_54 : i32
        %sub3A_56 = arith.constant 2 : i32
        %sub3A_57 = arith.subi %scan3A_33, %sub3A_56 : i32
        %mul3A_58 = arith.constant 1280 : i32
        %mul3A_59 = arith.muli %sub3A_57, %mul3A_58 : i32
        %add3A_60 = arith.addi %multiple_of3A, %mul3A_59 : i32
        %multiple_of3A_61 = tpu.assume_multiple %add3A_60, 1280 : i32
        %dma_wait3A_62 = tpu.memref_slice %arg11[%rem3A_55] : memref<7x!tpu.dma_semaphore, #tpu.memory_space<semaphore_mem>> -> memref<1x!tpu.dma_semaphore, #tpu.memory_space<semaphore_mem>>
        %dma_wait3A_63 = tpu.memref_squeeze %dma_wait3A_62 : memref<1x!tpu.dma_semaphore, #tpu.memory_space<semaphore_mem>> -> memref<!tpu.dma_semaphore, #tpu.memory_space<semaphore_mem>>
        %dma_wait3A_64 = arith.constant 0 : i32
        %dma_wait3A_65 = tpu.memref_slice %arg3[%multiple_of3A_61, %dma_wait3A_64] : memref<204800x128xf32, #tpu.memory_space<hbm>> -> memref<1280x128xf32, #tpu.memory_space<hbm>>
        %dma_wait3A_66 = arith.constant 0 : i32
        %dma_wait3A_67 = arith.constant 0 : i32
        %dma_wait3A_68 = tpu.memref_slice %arg6[%rem3A_55, %dma_wait3A_66, %dma_wait3A_67] : memref<7x1280x128xf32, #tpu.memory_space<vmem_shared>> -> memref<1x1280x128xf32, #tpu.memory_space<vmem_shared>>
        %dma_wait3A_69 = tpu.memref_squeeze %dma_wait3A_68 : memref<1x1280x128xf32, #tpu.memory_space<vmem_shared>> -> memref<1280x128xf32, #tpu.memory_space<vmem_shared>>
        tpu.wait_dma2 semaphore(%dma_wait3A_63 : memref<!tpu.dma_semaphore, #tpu.memory_space<semaphore_mem>>) src(%dma_wait3A_69 : memref<1280x128xf32, #tpu.memory_space<vmem_shared>>) dst(%dma_wait3A_65 : memref<1280x128xf32, #tpu.memory_space<hbm>>)
        %semaphore_signal3A = arith.constant 1 : i32
        %semaphore_signal3A_70 = arith.constant 0 : i32
        %semaphore_signal3A_71 = tpu.memref_slice %arg10[%rem3A_55] : memref<7x!tpu.semaphore, #tpu.memory_space<semaphore_mem, sc_vector_subcore>> -> memref<1x!tpu.semaphore, #tpu.memory_space<semaphore_mem, sc_vector_subcore>>
        %semaphore_signal3A_72 = tpu.memref_squeeze %semaphore_signal3A_71 : memref<1x!tpu.semaphore, #tpu.memory_space<semaphore_mem, sc_vector_subcore>> -> memref<!tpu.semaphore, #tpu.memory_space<semaphore_mem, sc_vector_subcore>>
        tpu.sem_signal %semaphore_signal3A_72, %semaphore_signal3A core_id %arg0 subcore_id %semaphore_signal3A_70 : memref<!tpu.semaphore, #tpu.memory_space<semaphore_mem, sc_vector_subcore>>
      } else {
      }
      %scan3A_52 = arith.constant 0 : i32
      scf.yield %scan3A_52 : i32
    }
    %scan3A_8 = arith.constant 80 : i32
    %add3A = arith.constant 99840 : i32
    %add3A_9 = arith.addi %multiple_of3A, %add3A : i32
    %multiple_of3A_10 = tpu.assume_multiple %add3A_9, 1280 : i32
    %dma_wait3A = arith.constant 1 : i32
    %dma_wait3A_11 = arith.constant 1 : i32
    %dma_wait3A_12 = tpu.memref_slice %arg11[%dma_wait3A_11] : memref<7x!tpu.dma_semaphore, #tpu.memory_space<semaphore_mem>> -> memref<1x!tpu.dma_semaphore, #tpu.memory_space<semaphore_mem>>
    %dma_wait3A_13 = tpu.memref_squeeze %dma_wait3A_12 : memref<1x!tpu.dma_semaphore, #tpu.memory_space<semaphore_mem>> -> memref<!tpu.dma_semaphore, #tpu.memory_space<semaphore_mem>>
    %dma_wait3A_14 = arith.constant 0 : i32
    %dma_wait3A_15 = tpu.memref_slice %arg3[%multiple_of3A_10, %dma_wait3A_14] : memref<204800x128xf32, #tpu.memory_space<hbm>> -> memref<1280x128xf32, #tpu.memory_space<hbm>>
    %dma_wait3A_16 = arith.constant 0 : i32
    %dma_wait3A_17 = arith.constant 0 : i32
    %dma_wait3A_18 = tpu.memref_slice %arg6[%dma_wait3A, %dma_wait3A_16, %dma_wait3A_17] : memref<7x1280x128xf32, #tpu.memory_space<vmem_shared>> -> memref<1x1280x128xf32, #tpu.memory_space<vmem_shared>>
    %dma_wait3A_19 = tpu.memref_squeeze %dma_wait3A_18 : memref<1x1280x128xf32, #tpu.memory_space<vmem_shared>> -> memref<1280x128xf32, #tpu.memory_space<vmem_shared>>
    tpu.wait_dma2 semaphore(%dma_wait3A_13 : memref<!tpu.dma_semaphore, #tpu.memory_space<semaphore_mem>>) src(%dma_wait3A_19 : memref<1280x128xf32, #tpu.memory_space<vmem_shared>>) dst(%dma_wait3A_15 : memref<1280x128xf32, #tpu.memory_space<hbm>>)
    %add3A_20 = arith.constant 101120 : i32
    %add3A_21 = arith.addi %multiple_of3A, %add3A_20 : i32
    %multiple_of3A_22 = tpu.assume_multiple %add3A_21, 1280 : i32
    %dma_wait3A_23 = arith.constant 2 : i32
    %dma_wait3A_24 = arith.constant 2 : i32
    %dma_wait3A_25 = tpu.memref_slice %arg11[%dma_wait3A_24] : memref<7x!tpu.dma_semaphore, #tpu.memory_space<semaphore_mem>> -> memref<1x!tpu.dma_semaphore, #tpu.memory_space<semaphore_mem>>
    %dma_wait3A_26 = tpu.memref_squeeze %dma_wait3A_25 : memref<1x!tpu.dma_semaphore, #tpu.memory_space<semaphore_mem>> -> memref<!tpu.dma_semaphore, #tpu.memory_space<semaphore_mem>>
    %dma_wait3A_27 = arith.constant 0 : i32
    %dma_wait3A_28 = tpu.memref_slice %arg3[%multiple_of3A_22, %dma_wait3A_27] : memref<204800x128xf32, #tpu.memory_space<hbm>> -> memref<1280x128xf32, #tpu.memory_space<hbm>>
    %dma_wait3A_29 = arith.constant 0 : i32
    %dma_wait3A_30 = arith.constant 0 : i32
    %dma_wait3A_31 = tpu.memref_slice %arg6[%dma_wait3A_23, %dma_wait3A_29, %dma_wait3A_30] : memref<7x1280x128xf32, #tpu.memory_space<vmem_shared>> -> memref<1x1280x128xf32, #tpu.memory_space<vmem_shared>>
    %dma_wait3A_32 = tpu.memref_squeeze %dma_wait3A_31 : memref<1x1280x128xf32, #tpu.memory_space<vmem_shared>> -> memref<1280x128xf32, #tpu.memory_space<vmem_shared>>
    tpu.wait_dma2 semaphore(%dma_wait3A_26 : memref<!tpu.dma_semaphore, #tpu.memory_space<semaphore_mem>>) src(%dma_wait3A_32 : memref<1280x128xf32, #tpu.memory_space<vmem_shared>>) dst(%dma_wait3A_28 : memref<1280x128xf32, #tpu.memory_space<hbm>>)
    return
  }
  func.func @tec_fn(%arg0: i32, %arg1: i32, %arg2: memref<204800xi32, #tpu.memory_space<hbm>>, %arg3: memref<100000x128xf32, #tpu.memory_space<hbm>>, %arg4: memref<204800x128xf32, #tpu.memory_space<hbm>>, %arg5: memref<6400xi32, #tpu.memory_space<vmem>>, %arg6: memref<4x80x128xf32, #tpu.memory_space<vmem>>, %arg7: memref<7x1280x128xf32, #tpu.memory_space<vmem_shared>>, %arg8: memref<4x!tpu.dma_semaphore, #tpu.memory_space<semaphore_mem>>, %arg9: memref<4x!tpu.dma_semaphore, #tpu.memory_space<semaphore_mem>>, %arg10: memref<7x!tpu.semaphore, #tpu.memory_space<semaphore_mem, sc_scalar_subcore>>, %arg11: memref<7x!tpu.semaphore, #tpu.memory_space<semaphore_mem>>, %arg12: memref<7x!tpu.dma_semaphore, #tpu.memory_space<semaphore_mem, sc_scalar_subcore>>) attributes {dimension_semantics = [#tpu.dimension_semantics<core_parallel>, #tpu.dimension_semantics<subcore_parallel>], iteration_bounds = array<i64: 2, 16>, scalar_prefetch = 0 : i64, scratch_operands = 8 : i64, tpu.core_type = #tpu.core_type<sc_vector_subcore>, window_params = [{transform_indices = #map2}, {transform_indices = #map3}, {transform_indices = #map3}]} {
    %mul3A = arith.constant 16 : i32
    %mul3A_0 = arith.muli %arg0, %mul3A : i32
    %add3A = arith.addi %mul3A_0, %arg1 : i32
    %mul3A_1 = arith.constant 6400 : i32
    %mul3A_2 = arith.muli %add3A, %mul3A_1 : i32
    %multiple_of3A = tpu.assume_multiple %mul3A_2, 80 : i32
    "tpu.region"() ({
      %run_scoped3A = tpu.sem_alloc : memref<!tpu.dma_semaphore, #tpu.memory_space<semaphore_mem>>
      %dma_start3A_80 = tpu.memref_slice %arg2[%multiple_of3A] : memref<204800xi32, #tpu.memory_space<hbm>> -> memref<6400xi32, #tpu.memory_space<hbm>>
      %dma_start3A_81 = tpu.memref_slice %arg2[%multiple_of3A] : memref<204800xi32, #tpu.memory_space<hbm>> -> memref<6400xi32, #tpu.memory_space<hbm>>
      tpu.enqueue_dma source(%dma_start3A_81 : memref<6400xi32, #tpu.memory_space<hbm>>) target(%arg5 : memref<6400xi32, #tpu.memory_space<vmem>>) target_semaphore(%run_scoped3A : memref<!tpu.dma_semaphore, #tpu.memory_space<semaphore_mem>>)
      %dma_wait3A_82 = tpu.memref_slice %arg2[%multiple_of3A] : memref<204800xi32, #tpu.memory_space<hbm>> -> memref<6400xi32, #tpu.memory_space<hbm>>
      %dma_wait3A_83 = tpu.memref_slice %arg2[%multiple_of3A] : memref<204800xi32, #tpu.memory_space<hbm>> -> memref<6400xi32, #tpu.memory_space<hbm>>
      tpu.wait_dma2 semaphore(%run_scoped3A : memref<!tpu.dma_semaphore, #tpu.memory_space<semaphore_mem>>) src(%dma_wait3A_83 : memref<6400xi32, #tpu.memory_space<hbm>>) dst(%arg5 : memref<6400xi32, #tpu.memory_space<vmem>>)
      tpu.yield
    }) : () -> ()
    %multiple_of3A_3 = arith.constant 0 : i32
    %multiple_of3A_4 = tpu.assume_multiple %multiple_of3A_3, 80 : i32
    %dma_start3A = arith.constant 0 : i32
    %dma_start3A_5 = arith.constant 0 : i32
    %dma_start3A_6 = arith.constant 0 : i32
    %dma_start3A_7 = arith.constant 0 : i32
    %dma_start3A_8 = tpu.memref_slice %arg6[%dma_start3A, %dma_start3A_6, %dma_start3A_7] : memref<4x80x128xf32, #tpu.memory_space<vmem>> -> memref<1x80x128xf32, #tpu.memory_space<vmem>>
    %dma_start3A_9 = tpu.memref_squeeze %dma_start3A_8 : memref<1x80x128xf32, #tpu.memory_space<vmem>> -> memref<80x128xf32, #tpu.memory_space<vmem>>
    %dma_start3A_10 = tpu.memref_slice %arg5[%multiple_of3A_4] : memref<6400xi32, #tpu.memory_space<vmem>> -> memref<80xi32, #tpu.memory_space<vmem>>
    %dma_start3A_11 = arith.constant 0 : i32
    %dma_start3A_12 = arith.constant 0 : i32
    %dma_start3A_13 = tpu.memref_slice %arg3[%dma_start3A_11, %dma_start3A_12] : memref<100000x128xf32, #tpu.memory_space<hbm>> -> memref<100000x128xf32, #tpu.memory_space<hbm>>
    %dma_start3A_14 = tpu.memref_slice %arg8[%dma_start3A_5] : memref<4x!tpu.dma_semaphore, #tpu.memory_space<semaphore_mem>> -> memref<1x!tpu.dma_semaphore, #tpu.memory_space<semaphore_mem>>
    %dma_start3A_15 = tpu.memref_squeeze %dma_start3A_14 : memref<1x!tpu.dma_semaphore, #tpu.memory_space<semaphore_mem>> -> memref<!tpu.dma_semaphore, #tpu.memory_space<semaphore_mem>>
    tpu.enqueue_indirect_dma source(%dma_start3A_13 : memref<100000x128xf32, #tpu.memory_space<hbm>>) target(%dma_start3A_9 : memref<80x128xf32, #tpu.memory_space<vmem>>) offsets(%dma_start3A_10 : memref<80xi32, #tpu.memory_space<vmem>>) semaphore(%dma_start3A_15 : memref<!tpu.dma_semaphore, #tpu.memory_space<semaphore_mem>>)
    %multiple_of3A_16 = arith.constant 80 : i32
    %multiple_of3A_17 = tpu.assume_multiple %multiple_of3A_16, 80 : i32
    %dma_start3A_18 = arith.constant 1 : i32
    %dma_start3A_19 = arith.constant 1 : i32
    %dma_start3A_20 = arith.constant 0 : i32
    %dma_start3A_21 = arith.constant 0 : i32
    %dma_start3A_22 = tpu.memref_slice %arg6[%dma_start3A_18, %dma_start3A_20, %dma_start3A_21] : memref<4x80x128xf32, #tpu.memory_space<vmem>> -> memref<1x80x128xf32, #tpu.memory_space<vmem>>
    %dma_start3A_23 = tpu.memref_squeeze %dma_start3A_22 : memref<1x80x128xf32, #tpu.memory_space<vmem>> -> memref<80x128xf32, #tpu.memory_space<vmem>>
    %dma_start3A_24 = tpu.memref_slice %arg5[%multiple_of3A_17] : memref<6400xi32, #tpu.memory_space<vmem>> -> memref<80xi32, #tpu.memory_space<vmem>>
    %dma_start3A_25 = arith.constant 0 : i32
    %dma_start3A_26 = arith.constant 0 : i32
    %dma_start3A_27 = tpu.memref_slice %arg3[%dma_start3A_25, %dma_start3A_26] : memref<100000x128xf32, #tpu.memory_space<hbm>> -> memref<100000x128xf32, #tpu.memory_space<hbm>>
    %dma_start3A_28 = tpu.memref_slice %arg8[%dma_start3A_19] : memref<4x!tpu.dma_semaphore, #tpu.memory_space<semaphore_mem>> -> memref<1x!tpu.dma_semaphore, #tpu.memory_space<semaphore_mem>>
    %dma_start3A_29 = tpu.memref_squeeze %dma_start3A_28 : memref<1x!tpu.dma_semaphore, #tpu.memory_space<semaphore_mem>> -> memref<!tpu.dma_semaphore, #tpu.memory_space<semaphore_mem>>
    tpu.enqueue_indirect_dma source(%dma_start3A_27 : memref<100000x128xf32, #tpu.memory_space<hbm>>) target(%dma_start3A_23 : memref<80x128xf32, #tpu.memory_space<vmem>>) offsets(%dma_start3A_24 : memref<80xi32, #tpu.memory_space<vmem>>) semaphore(%dma_start3A_29 : memref<!tpu.dma_semaphore, #tpu.memory_space<semaphore_mem>>)
    %multiple_of3A_30 = arith.constant 160 : i32
    %multiple_of3A_31 = tpu.assume_multiple %multiple_of3A_30, 80 : i32
    %dma_start3A_32 = arith.constant 2 : i32
    %dma_start3A_33 = arith.constant 2 : i32
    %dma_start3A_34 = arith.constant 0 : i32
    %dma_start3A_35 = arith.constant 0 : i32
    %dma_start3A_36 = tpu.memref_slice %arg6[%dma_start3A_32, %dma_start3A_34, %dma_start3A_35] : memref<4x80x128xf32, #tpu.memory_space<vmem>> -> memref<1x80x128xf32, #tpu.memory_space<vmem>>
    %dma_start3A_37 = tpu.memref_squeeze %dma_start3A_36 : memref<1x80x128xf32, #tpu.memory_space<vmem>> -> memref<80x128xf32, #tpu.memory_space<vmem>>
    %dma_start3A_38 = tpu.memref_slice %arg5[%multiple_of3A_31] : memref<6400xi32, #tpu.memory_space<vmem>> -> memref<80xi32, #tpu.memory_space<vmem>>
    %dma_start3A_39 = arith.constant 0 : i32
    %dma_start3A_40 = arith.constant 0 : i32
    %dma_start3A_41 = tpu.memref_slice %arg3[%dma_start3A_39, %dma_start3A_40] : memref<100000x128xf32, #tpu.memory_space<hbm>> -> memref<100000x128xf32, #tpu.memory_space<hbm>>
    %dma_start3A_42 = tpu.memref_slice %arg8[%dma_start3A_33] : memref<4x!tpu.dma_semaphore, #tpu.memory_space<semaphore_mem>> -> memref<1x!tpu.dma_semaphore, #tpu.memory_space<semaphore_mem>>
    %dma_start3A_43 = tpu.memref_squeeze %dma_start3A_42 : memref<1x!tpu.dma_semaphore, #tpu.memory_space<semaphore_mem>> -> memref<!tpu.dma_semaphore, #tpu.memory_space<semaphore_mem>>
    tpu.enqueue_indirect_dma source(%dma_start3A_41 : memref<100000x128xf32, #tpu.memory_space<hbm>>) target(%dma_start3A_37 : memref<80x128xf32, #tpu.memory_space<vmem>>) offsets(%dma_start3A_38 : memref<80xi32, #tpu.memory_space<vmem>>) semaphore(%dma_start3A_43 : memref<!tpu.dma_semaphore, #tpu.memory_space<semaphore_mem>>)
    %scan3A = arith.constant 0 : i32
    %scan3A_44 = arith.constant 0 : i32
    %scan3A_45 = arith.constant 80 : i32
    %scan3A_46 = arith.addi %scan3A_44, %scan3A_45 : i32
    %scan3A_47 = arith.constant 2 : i32
    %scan3A_48 = scf.for %scan3A_80 = %scan3A_44 to %scan3A_46 step %scan3A_47 iter_args(%scan3A_81 = %scan3A) -> (i32)  : i32 {
      %rem3A = arith.constant 4 : i32
      %rem3A_82 = arith.remsi %scan3A_80, %rem3A : i32
      %rem3A_83 = arith.constant 7 : i32
      %rem3A_84 = arith.remsi %scan3A_80, %rem3A_83 : i32
      %mul3A_85 = arith.constant 80 : i32
      %mul3A_86 = arith.muli %scan3A_80, %mul3A_85 : i32
      %multiple_of3A_87 = tpu.assume_multiple %mul3A_86, 80 : i32
      %dma_wait3A_88 = arith.constant 0 : i32
      %dma_wait3A_89 = arith.constant 0 : i32
      %dma_wait3A_90 = tpu.memref_slice %arg6[%rem3A_82, %dma_wait3A_88, %dma_wait3A_89] : memref<4x80x128xf32, #tpu.memory_space<vmem>> -> memref<1x80x128xf32, #tpu.memory_space<vmem>>
      %dma_wait3A_91 = tpu.memref_squeeze %dma_wait3A_90 : memref<1x80x128xf32, #tpu.memory_space<vmem>> -> memref<80x128xf32, #tpu.memory_space<vmem>>
      %dma_wait3A_92 = tpu.memref_slice %arg5[%multiple_of3A_87] : memref<6400xi32, #tpu.memory_space<vmem>> -> memref<80xi32, #tpu.memory_space<vmem>>
      %dma_wait3A_93 = arith.constant 0 : i32
      %dma_wait3A_94 = arith.constant 0 : i32
      %dma_wait3A_95 = tpu.memref_slice %arg3[%dma_wait3A_93, %dma_wait3A_94] : memref<100000x128xf32, #tpu.memory_space<hbm>> -> memref<100000x128xf32, #tpu.memory_space<hbm>>
      %dma_wait3A_96 = tpu.memref_slice %arg8[%rem3A_82] : memref<4x!tpu.dma_semaphore, #tpu.memory_space<semaphore_mem>> -> memref<1x!tpu.dma_semaphore, #tpu.memory_space<semaphore_mem>>
      %dma_wait3A_97 = tpu.memref_squeeze %dma_wait3A_96 : memref<1x!tpu.dma_semaphore, #tpu.memory_space<semaphore_mem>> -> memref<!tpu.dma_semaphore, #tpu.memory_space<semaphore_mem>>
      tpu.wait_indirect_dma semaphore(%dma_wait3A_97 : memref<!tpu.dma_semaphore, #tpu.memory_space<semaphore_mem>>) src(%dma_wait3A_95 : memref<100000x128xf32, #tpu.memory_space<hbm>>) dst(%dma_wait3A_91 : memref<80x128xf32, #tpu.memory_space<vmem>>)
      %mul3A_98 = arith.constant 80 : i32
      %mul3A_99 = arith.muli %arg1, %mul3A_98 : i32
      %multiple_of3A_100 = tpu.assume_multiple %mul3A_99, 80 : i32
      %ge3A = arith.constant 1 : i32
      %ge3A_101 = arith.cmpi sge, %scan3A_80, %ge3A : i32
      %convert_element_type3A = arith.extui %ge3A_101 : i1 to i32
      %cond3A = arith.constant 0 : i32
      %cond3A_102 = arith.cmpi ne, %convert_element_type3A, %cond3A : i32
      scf.if %cond3A_102 {
        %sub3A = arith.constant 1 : i32
        %sub3A_199 = arith.subi %scan3A_80, %sub3A : i32
        %rem3A_200 = arith.constant 4 : i32
        %rem3A_201 = arith.remsi %sub3A_199, %rem3A_200 : i32
        %sub3A_202 = arith.constant 1 : i32
        %sub3A_203 = arith.subi %scan3A_80, %sub3A_202 : i32
        %rem3A_204 = arith.constant 7 : i32
        %rem3A_205 = arith.remsi %sub3A_203, %rem3A_204 : i32
        %dma_wait3A_206 = arith.constant 0 : i32
        %dma_wait3A_207 = arith.constant 0 : i32
        %dma_wait3A_208 = tpu.memref_slice %arg6[%rem3A_201, %dma_wait3A_206, %dma_wait3A_207] : memref<4x80x128xf32, #tpu.memory_space<vmem>> -> memref<1x80x128xf32, #tpu.memory_space<vmem>>
        %dma_wait3A_209 = tpu.memref_squeeze %dma_wait3A_208 : memref<1x80x128xf32, #tpu.memory_space<vmem>> -> memref<80x128xf32, #tpu.memory_space<vmem>>
        %dma_wait3A_210 = arith.constant 0 : i32
        %dma_wait3A_211 = arith.constant 0 : i32
        %dma_wait3A_212 = tpu.memref_slice %arg7[%rem3A_205, %dma_wait3A_210, %dma_wait3A_211] : memref<7x1280x128xf32, #tpu.memory_space<vmem_shared>> -> memref<1x1280x128xf32, #tpu.memory_space<vmem_shared>>
        %dma_wait3A_213 = tpu.memref_squeeze %dma_wait3A_212 : memref<1x1280x128xf32, #tpu.memory_space<vmem_shared>> -> memref<1280x128xf32, #tpu.memory_space<vmem_shared>>
        %dma_wait3A_214 = arith.constant 0 : i32
        %dma_wait3A_215 = tpu.memref_slice %dma_wait3A_213[%multiple_of3A_100, %dma_wait3A_214] : memref<1280x128xf32, #tpu.memory_space<vmem_shared>> -> memref<80x128xf32, #tpu.memory_space<vmem_shared>>
        %dma_wait3A_216 = tpu.memref_slice %arg9[%rem3A_201] : memref<4x!tpu.dma_semaphore, #tpu.memory_space<semaphore_mem>> -> memref<1x!tpu.dma_semaphore, #tpu.memory_space<semaphore_mem>>
        %dma_wait3A_217 = tpu.memref_squeeze %dma_wait3A_216 : memref<1x!tpu.dma_semaphore, #tpu.memory_space<semaphore_mem>> -> memref<!tpu.dma_semaphore, #tpu.memory_space<semaphore_mem>>
        %dma_wait3A_218 = arith.constant 0 : i32
        %dma_wait3A_219 = arith.constant 0 : i32
        %dma_wait3A_220 = tpu.memref_slice %arg7[%rem3A_205, %dma_wait3A_218, %dma_wait3A_219] : memref<7x1280x128xf32, #tpu.memory_space<vmem_shared>> -> memref<1x1280x128xf32, #tpu.memory_space<vmem_shared>>
        %dma_wait3A_221 = tpu.memref_squeeze %dma_wait3A_220 : memref<1x1280x128xf32, #tpu.memory_space<vmem_shared>> -> memref<1280x128xf32, #tpu.memory_space<vmem_shared>>
        %dma_wait3A_222 = arith.constant 0 : i32
        %dma_wait3A_223 = tpu.memref_slice %dma_wait3A_221[%multiple_of3A_100, %dma_wait3A_222] : memref<1280x128xf32, #tpu.memory_space<vmem_shared>> -> memref<80x128xf32, #tpu.memory_space<vmem_shared>>
        %dma_wait3A_224 = arith.constant 0 : i32
        %dma_wait3A_225 = arith.constant 0 : i32
        %dma_wait3A_226 = tpu.memref_slice %arg6[%rem3A_201, %dma_wait3A_224, %dma_wait3A_225] : memref<4x80x128xf32, #tpu.memory_space<vmem>> -> memref<1x80x128xf32, #tpu.memory_space<vmem>>
        %dma_wait3A_227 = tpu.memref_squeeze %dma_wait3A_226 : memref<1x80x128xf32, #tpu.memory_space<vmem>> -> memref<80x128xf32, #tpu.memory_space<vmem>>
        tpu.wait_dma2 semaphore(%dma_wait3A_217 : memref<!tpu.dma_semaphore, #tpu.memory_space<semaphore_mem>>) src(%dma_wait3A_227 : memref<80x128xf32, #tpu.memory_space<vmem>>) dst(%dma_wait3A_223 : memref<80x128xf32, #tpu.memory_space<vmem_shared>>)
        %sub3A_228 = arith.constant 1 : i32
        %sub3A_229 = arith.subi %scan3A_80, %sub3A_228 : i32
        %rem3A_230 = arith.constant 7 : i32
        %rem3A_231 = arith.remsi %sub3A_229, %rem3A_230 : i32
        %semaphore_signal3A_232 = arith.constant 1 : i32
        %semaphore_signal3A_233 = tpu.memref_slice %arg10[%rem3A_231] : memref<7x!tpu.semaphore, #tpu.memory_space<semaphore_mem, sc_scalar_subcore>> -> memref<1x!tpu.semaphore, #tpu.memory_space<semaphore_mem, sc_scalar_subcore>>
        %semaphore_signal3A_234 = tpu.memref_squeeze %semaphore_signal3A_233 : memref<1x!tpu.semaphore, #tpu.memory_space<semaphore_mem, sc_scalar_subcore>> -> memref<!tpu.semaphore, #tpu.memory_space<semaphore_mem, sc_scalar_subcore>>
        tpu.sem_signal %semaphore_signal3A_234, %semaphore_signal3A_232 core_id %arg0 : memref<!tpu.semaphore, #tpu.memory_space<semaphore_mem, sc_scalar_subcore>>
      } else {
      }
      %ge3A_103 = arith.constant 7 : i32
      %ge3A_104 = arith.cmpi sge, %scan3A_80, %ge3A_103 : i32
      %convert_element_type3A_105 = arith.extui %ge3A_104 : i1 to i32
      %cond3A_106 = arith.constant 0 : i32
      %cond3A_107 = arith.cmpi ne, %convert_element_type3A_105, %cond3A_106 : i32
      scf.if %cond3A_107 {
        %eq3A = arith.constant 0 : i32
        %eq3A_199 = arith.cmpi eq, %arg1, %eq3A : i32
        %convert_element_type3A_200 = arith.extui %eq3A_199 : i1 to i32
        %cond3A_201 = arith.constant 0 : i32
        %cond3A_202 = arith.cmpi ne, %convert_element_type3A_200, %cond3A_201 : i32
        scf.if %cond3A_202 {
          %semaphore_wait3A = arith.constant 1 : i32
          %semaphore_wait3A_203 = arith.constant true
          %semaphore_wait3A_204 = tpu.memref_slice %arg11[%rem3A_84] : memref<7x!tpu.semaphore, #tpu.memory_space<semaphore_mem>> -> memref<1x!tpu.semaphore, #tpu.memory_space<semaphore_mem>>
          %semaphore_wait3A_205 = tpu.memref_squeeze %semaphore_wait3A_204 : memref<1x!tpu.semaphore, #tpu.memory_space<semaphore_mem>> -> memref<!tpu.semaphore, #tpu.memory_space<semaphore_mem>>
          tpu.sem_wait %semaphore_wait3A_205, %semaphore_wait3A : memref<!tpu.semaphore, #tpu.memory_space<semaphore_mem>>
        } else {
        }
        %barrier3A = arith.constant 0 : index
        tpu.barrier barrier_id(%barrier3A)
      } else {
      }
      %dma_start3A_108 = arith.constant 0 : i32
      %dma_start3A_109 = arith.constant 0 : i32
      %dma_start3A_110 = tpu.memref_slice %arg6[%rem3A_82, %dma_start3A_108, %dma_start3A_109] : memref<4x80x128xf32, #tpu.memory_space<vmem>> -> memref<1x80x128xf32, #tpu.memory_space<vmem>>
      %dma_start3A_111 = tpu.memref_squeeze %dma_start3A_110 : memref<1x80x128xf32, #tpu.memory_space<vmem>> -> memref<80x128xf32, #tpu.memory_space<vmem>>
      %dma_start3A_112 = arith.constant 0 : i32
      %dma_start3A_113 = arith.constant 0 : i32
      %dma_start3A_114 = tpu.memref_slice %arg7[%rem3A_84, %dma_start3A_112, %dma_start3A_113] : memref<7x1280x128xf32, #tpu.memory_space<vmem_shared>> -> memref<1x1280x128xf32, #tpu.memory_space<vmem_shared>>
      %dma_start3A_115 = tpu.memref_squeeze %dma_start3A_114 : memref<1x1280x128xf32, #tpu.memory_space<vmem_shared>> -> memref<1280x128xf32, #tpu.memory_space<vmem_shared>>
      %dma_start3A_116 = arith.constant 0 : i32
      %dma_start3A_117 = tpu.memref_slice %dma_start3A_115[%multiple_of3A_100, %dma_start3A_116] : memref<1280x128xf32, #tpu.memory_space<vmem_shared>> -> memref<80x128xf32, #tpu.memory_space<vmem_shared>>
      %dma_start3A_118 = tpu.memref_slice %arg9[%rem3A_82] : memref<4x!tpu.dma_semaphore, #tpu.memory_space<semaphore_mem>> -> memref<1x!tpu.dma_semaphore, #tpu.memory_space<semaphore_mem>>
      %dma_start3A_119 = tpu.memref_squeeze %dma_start3A_118 : memref<1x!tpu.dma_semaphore, #tpu.memory_space<semaphore_mem>> -> memref<!tpu.dma_semaphore, #tpu.memory_space<semaphore_mem>>
      %dma_start3A_120 = arith.constant 0 : i32
      %dma_start3A_121 = arith.constant 0 : i32
      %dma_start3A_122 = tpu.memref_slice %arg7[%rem3A_84, %dma_start3A_120, %dma_start3A_121] : memref<7x1280x128xf32, #tpu.memory_space<vmem_shared>> -> memref<1x1280x128xf32, #tpu.memory_space<vmem_shared>>
      %dma_start3A_123 = tpu.memref_squeeze %dma_start3A_122 : memref<1x1280x128xf32, #tpu.memory_space<vmem_shared>> -> memref<1280x128xf32, #tpu.memory_space<vmem_shared>>
      %dma_start3A_124 = arith.constant 0 : i32
      %dma_start3A_125 = tpu.memref_slice %dma_start3A_123[%multiple_of3A_100, %dma_start3A_124] : memref<1280x128xf32, #tpu.memory_space<vmem_shared>> -> memref<80x128xf32, #tpu.memory_space<vmem_shared>>
      %dma_start3A_126 = arith.constant 0 : i32
      %dma_start3A_127 = arith.constant 0 : i32
      %dma_start3A_128 = tpu.memref_slice %arg6[%rem3A_82, %dma_start3A_126, %dma_start3A_127] : memref<4x80x128xf32, #tpu.memory_space<vmem>> -> memref<1x80x128xf32, #tpu.memory_space<vmem>>
      %dma_start3A_129 = tpu.memref_squeeze %dma_start3A_128 : memref<1x80x128xf32, #tpu.memory_space<vmem>> -> memref<80x128xf32, #tpu.memory_space<vmem>>
      tpu.enqueue_dma source(%dma_start3A_129 : memref<80x128xf32, #tpu.memory_space<vmem>>) target(%dma_start3A_125 : memref<80x128xf32, #tpu.memory_space<vmem_shared>>) target_semaphore(%dma_start3A_119 : memref<!tpu.dma_semaphore, #tpu.memory_space<semaphore_mem>>)
      %add3A_130 = arith.constant 3 : i32
      %add3A_131 = arith.addi %scan3A_80, %add3A_130 : i32
      %lt3A = arith.constant 80 : i32
      %lt3A_132 = arith.cmpi slt, %add3A_131, %lt3A : i32
      %convert_element_type3A_133 = arith.extui %lt3A_132 : i1 to i32
      %cond3A_134 = arith.constant 0 : i32
      %cond3A_135 = arith.cmpi ne, %convert_element_type3A_133, %cond3A_134 : i32
      scf.if %cond3A_135 {
        %add3A_199 = arith.constant 3 : i32
        %add3A_200 = arith.addi %scan3A_80, %add3A_199 : i32
        %add3A_201 = arith.constant 3 : i32
        %add3A_202 = arith.addi %scan3A_80, %add3A_201 : i32
        %rem3A_203 = arith.constant 4 : i32
        %rem3A_204 = arith.remsi %add3A_202, %rem3A_203 : i32
        %mul3A_205 = arith.constant 80 : i32
        %mul3A_206 = arith.muli %add3A_200, %mul3A_205 : i32
        %multiple_of3A_207 = tpu.assume_multiple %mul3A_206, 80 : i32
        %dma_start3A_208 = arith.constant 0 : i32
        %dma_start3A_209 = arith.constant 0 : i32
        %dma_start3A_210 = tpu.memref_slice %arg6[%rem3A_204, %dma_start3A_208, %dma_start3A_209] : memref<4x80x128xf32, #tpu.memory_space<vmem>> -> memref<1x80x128xf32, #tpu.memory_space<vmem>>
        %dma_start3A_211 = tpu.memref_squeeze %dma_start3A_210 : memref<1x80x128xf32, #tpu.memory_space<vmem>> -> memref<80x128xf32, #tpu.memory_space<vmem>>
        %dma_start3A_212 = tpu.memref_slice %arg5[%multiple_of3A_207] : memref<6400xi32, #tpu.memory_space<vmem>> -> memref<80xi32, #tpu.memory_space<vmem>>
        %dma_start3A_213 = arith.constant 0 : i32
        %dma_start3A_214 = arith.constant 0 : i32
        %dma_start3A_215 = tpu.memref_slice %arg3[%dma_start3A_213, %dma_start3A_214] : memref<100000x128xf32, #tpu.memory_space<hbm>> -> memref<100000x128xf32, #tpu.memory_space<hbm>>
        %dma_start3A_216 = tpu.memref_slice %arg8[%rem3A_204] : memref<4x!tpu.dma_semaphore, #tpu.memory_space<semaphore_mem>> -> memref<1x!tpu.dma_semaphore, #tpu.memory_space<semaphore_mem>>
        %dma_start3A_217 = tpu.memref_squeeze %dma_start3A_216 : memref<1x!tpu.dma_semaphore, #tpu.memory_space<semaphore_mem>> -> memref<!tpu.dma_semaphore, #tpu.memory_space<semaphore_mem>>
        tpu.enqueue_indirect_dma source(%dma_start3A_215 : memref<100000x128xf32, #tpu.memory_space<hbm>>) target(%dma_start3A_211 : memref<80x128xf32, #tpu.memory_space<vmem>>) offsets(%dma_start3A_212 : memref<80xi32, #tpu.memory_space<vmem>>) semaphore(%dma_start3A_217 : memref<!tpu.dma_semaphore, #tpu.memory_space<semaphore_mem>>)
      } else {
      }
      %scan3A_136 = arith.constant 0 : i32
      %scan3A_137 = arith.constant 1 : i32
      %scan3A_138 = arith.addi %scan3A_80, %scan3A_137 : i32
      %rem3A_139 = arith.constant 4 : i32
      %rem3A_140 = arith.remsi %scan3A_138, %rem3A_139 : i32
      %rem3A_141 = arith.constant 7 : i32
      %rem3A_142 = arith.remsi %scan3A_138, %rem3A_141 : i32
      %mul3A_143 = arith.constant 80 : i32
      %mul3A_144 = arith.muli %scan3A_138, %mul3A_143 : i32
      %multiple_of3A_145 = tpu.assume_multiple %mul3A_144, 80 : i32
      %dma_wait3A_146 = arith.constant 0 : i32
      %dma_wait3A_147 = arith.constant 0 : i32
      %dma_wait3A_148 = tpu.memref_slice %arg6[%rem3A_140, %dma_wait3A_146, %dma_wait3A_147] : memref<4x80x128xf32, #tpu.memory_space<vmem>> -> memref<1x80x128xf32, #tpu.memory_space<vmem>>
      %dma_wait3A_149 = tpu.memref_squeeze %dma_wait3A_148 : memref<1x80x128xf32, #tpu.memory_space<vmem>> -> memref<80x128xf32, #tpu.memory_space<vmem>>
      %dma_wait3A_150 = tpu.memref_slice %arg5[%multiple_of3A_145] : memref<6400xi32, #tpu.memory_space<vmem>> -> memref<80xi32, #tpu.memory_space<vmem>>
      %dma_wait3A_151 = arith.constant 0 : i32
      %dma_wait3A_152 = arith.constant 0 : i32
      %dma_wait3A_153 = tpu.memref_slice %arg3[%dma_wait3A_151, %dma_wait3A_152] : memref<100000x128xf32, #tpu.memory_space<hbm>> -> memref<100000x128xf32, #tpu.memory_space<hbm>>
      %dma_wait3A_154 = tpu.memref_slice %arg8[%rem3A_140] : memref<4x!tpu.dma_semaphore, #tpu.memory_space<semaphore_mem>> -> memref<1x!tpu.dma_semaphore, #tpu.memory_space<semaphore_mem>>
      %dma_wait3A_155 = tpu.memref_squeeze %dma_wait3A_154 : memref<1x!tpu.dma_semaphore, #tpu.memory_space<semaphore_mem>> -> memref<!tpu.dma_semaphore, #tpu.memory_space<semaphore_mem>>
      tpu.wait_indirect_dma semaphore(%dma_wait3A_155 : memref<!tpu.dma_semaphore, #tpu.memory_space<semaphore_mem>>) src(%dma_wait3A_153 : memref<100000x128xf32, #tpu.memory_space<hbm>>) dst(%dma_wait3A_149 : memref<80x128xf32, #tpu.memory_space<vmem>>)
      %mul3A_156 = arith.constant 80 : i32
      %mul3A_157 = arith.muli %arg1, %mul3A_156 : i32
      %multiple_of3A_158 = tpu.assume_multiple %mul3A_157, 80 : i32
      %ge3A_159 = arith.constant 1 : i32
      %ge3A_160 = arith.cmpi sge, %scan3A_138, %ge3A_159 : i32
      %convert_element_type3A_161 = arith.extui %ge3A_160 : i1 to i32
      %cond3A_162 = arith.constant 0 : i32
      %cond3A_163 = arith.cmpi ne, %convert_element_type3A_161, %cond3A_162 : i32
      scf.if %cond3A_163 {
        %sub3A = arith.constant 1 : i32
        %sub3A_199 = arith.subi %scan3A_138, %sub3A : i32
        %rem3A_200 = arith.constant 4 : i32
        %rem3A_201 = arith.remsi %sub3A_199, %rem3A_200 : i32
        %sub3A_202 = arith.constant 1 : i32
        %sub3A_203 = arith.subi %scan3A_138, %sub3A_202 : i32
        %rem3A_204 = arith.constant 7 : i32
        %rem3A_205 = arith.remsi %sub3A_203, %rem3A_204 : i32
        %dma_wait3A_206 = arith.constant 0 : i32
        %dma_wait3A_207 = arith.constant 0 : i32
        %dma_wait3A_208 = tpu.memref_slice %arg6[%rem3A_201, %dma_wait3A_206, %dma_wait3A_207] : memref<4x80x128xf32, #tpu.memory_space<vmem>> -> memref<1x80x128xf32, #tpu.memory_space<vmem>>
        %dma_wait3A_209 = tpu.memref_squeeze %dma_wait3A_208 : memref<1x80x128xf32, #tpu.memory_space<vmem>> -> memref<80x128xf32, #tpu.memory_space<vmem>>
        %dma_wait3A_210 = arith.constant 0 : i32
        %dma_wait3A_211 = arith.constant 0 : i32
        %dma_wait3A_212 = tpu.memref_slice %arg7[%rem3A_205, %dma_wait3A_210, %dma_wait3A_211] : memref<7x1280x128xf32, #tpu.memory_space<vmem_shared>> -> memref<1x1280x128xf32, #tpu.memory_space<vmem_shared>>
        %dma_wait3A_213 = tpu.memref_squeeze %dma_wait3A_212 : memref<1x1280x128xf32, #tpu.memory_space<vmem_shared>> -> memref<1280x128xf32, #tpu.memory_space<vmem_shared>>
        %dma_wait3A_214 = arith.constant 0 : i32
        %dma_wait3A_215 = tpu.memref_slice %dma_wait3A_213[%multiple_of3A_158, %dma_wait3A_214] : memref<1280x128xf32, #tpu.memory_space<vmem_shared>> -> memref<80x128xf32, #tpu.memory_space<vmem_shared>>
        %dma_wait3A_216 = tpu.memref_slice %arg9[%rem3A_201] : memref<4x!tpu.dma_semaphore, #tpu.memory_space<semaphore_mem>> -> memref<1x!tpu.dma_semaphore, #tpu.memory_space<semaphore_mem>>
        %dma_wait3A_217 = tpu.memref_squeeze %dma_wait3A_216 : memref<1x!tpu.dma_semaphore, #tpu.memory_space<semaphore_mem>> -> memref<!tpu.dma_semaphore, #tpu.memory_space<semaphore_mem>>
        %dma_wait3A_218 = arith.constant 0 : i32
        %dma_wait3A_219 = arith.constant 0 : i32
        %dma_wait3A_220 = tpu.memref_slice %arg7[%rem3A_205, %dma_wait3A_218, %dma_wait3A_219] : memref<7x1280x128xf32, #tpu.memory_space<vmem_shared>> -> memref<1x1280x128xf32, #tpu.memory_space<vmem_shared>>
        %dma_wait3A_221 = tpu.memref_squeeze %dma_wait3A_220 : memref<1x1280x128xf32, #tpu.memory_space<vmem_shared>> -> memref<1280x128xf32, #tpu.memory_space<vmem_shared>>
        %dma_wait3A_222 = arith.constant 0 : i32
        %dma_wait3A_223 = tpu.memref_slice %dma_wait3A_221[%multiple_of3A_158, %dma_wait3A_222] : memref<1280x128xf32, #tpu.memory_space<vmem_shared>> -> memref<80x128xf32, #tpu.memory_space<vmem_shared>>
        %dma_wait3A_224 = arith.constant 0 : i32
        %dma_wait3A_225 = arith.constant 0 : i32
        %dma_wait3A_226 = tpu.memref_slice %arg6[%rem3A_201, %dma_wait3A_224, %dma_wait3A_225] : memref<4x80x128xf32, #tpu.memory_space<vmem>> -> memref<1x80x128xf32, #tpu.memory_space<vmem>>
        %dma_wait3A_227 = tpu.memref_squeeze %dma_wait3A_226 : memref<1x80x128xf32, #tpu.memory_space<vmem>> -> memref<80x128xf32, #tpu.memory_space<vmem>>
        tpu.wait_dma2 semaphore(%dma_wait3A_217 : memref<!tpu.dma_semaphore, #tpu.memory_space<semaphore_mem>>) src(%dma_wait3A_227 : memref<80x128xf32, #tpu.memory_space<vmem>>) dst(%dma_wait3A_223 : memref<80x128xf32, #tpu.memory_space<vmem_shared>>)
        %sub3A_228 = arith.constant 1 : i32
        %sub3A_229 = arith.subi %scan3A_138, %sub3A_228 : i32
        %rem3A_230 = arith.constant 7 : i32
        %rem3A_231 = arith.remsi %sub3A_229, %rem3A_230 : i32
        %semaphore_signal3A_232 = arith.constant 1 : i32
        %semaphore_signal3A_233 = tpu.memref_slice %arg10[%rem3A_231] : memref<7x!tpu.semaphore, #tpu.memory_space<semaphore_mem, sc_scalar_subcore>> -> memref<1x!tpu.semaphore, #tpu.memory_space<semaphore_mem, sc_scalar_subcore>>
        %semaphore_signal3A_234 = tpu.memref_squeeze %semaphore_signal3A_233 : memref<1x!tpu.semaphore, #tpu.memory_space<semaphore_mem, sc_scalar_subcore>> -> memref<!tpu.semaphore, #tpu.memory_space<semaphore_mem, sc_scalar_subcore>>
        tpu.sem_signal %semaphore_signal3A_234, %semaphore_signal3A_232 core_id %arg0 : memref<!tpu.semaphore, #tpu.memory_space<semaphore_mem, sc_scalar_subcore>>
      } else {
      }
      %ge3A_164 = arith.constant 7 : i32
      %ge3A_165 = arith.cmpi sge, %scan3A_138, %ge3A_164 : i32
      %convert_element_type3A_166 = arith.extui %ge3A_165 : i1 to i32
      %cond3A_167 = arith.constant 0 : i32
      %cond3A_168 = arith.cmpi ne, %convert_element_type3A_166, %cond3A_167 : i32
      scf.if %cond3A_168 {
        %eq3A = arith.constant 0 : i32
        %eq3A_199 = arith.cmpi eq, %arg1, %eq3A : i32
        %convert_element_type3A_200 = arith.extui %eq3A_199 : i1 to i32
        %cond3A_201 = arith.constant 0 : i32
        %cond3A_202 = arith.cmpi ne, %convert_element_type3A_200, %cond3A_201 : i32
        scf.if %cond3A_202 {
          %semaphore_wait3A = arith.constant 1 : i32
          %semaphore_wait3A_203 = arith.constant true
          %semaphore_wait3A_204 = tpu.memref_slice %arg11[%rem3A_142] : memref<7x!tpu.semaphore, #tpu.memory_space<semaphore_mem>> -> memref<1x!tpu.semaphore, #tpu.memory_space<semaphore_mem>>
          %semaphore_wait3A_205 = tpu.memref_squeeze %semaphore_wait3A_204 : memref<1x!tpu.semaphore, #tpu.memory_space<semaphore_mem>> -> memref<!tpu.semaphore, #tpu.memory_space<semaphore_mem>>
          tpu.sem_wait %semaphore_wait3A_205, %semaphore_wait3A : memref<!tpu.semaphore, #tpu.memory_space<semaphore_mem>>
        } else {
        }
        %barrier3A = arith.constant 0 : index
        tpu.barrier barrier_id(%barrier3A)
      } else {
      }
      %dma_start3A_169 = arith.constant 0 : i32
      %dma_start3A_170 = arith.constant 0 : i32
      %dma_start3A_171 = tpu.memref_slice %arg6[%rem3A_140, %dma_start3A_169, %dma_start3A_170] : memref<4x80x128xf32, #tpu.memory_space<vmem>> -> memref<1x80x128xf32, #tpu.memory_space<vmem>>
      %dma_start3A_172 = tpu.memref_squeeze %dma_start3A_171 : memref<1x80x128xf32, #tpu.memory_space<vmem>> -> memref<80x128xf32, #tpu.memory_space<vmem>>
      %dma_start3A_173 = arith.constant 0 : i32
      %dma_start3A_174 = arith.constant 0 : i32
      %dma_start3A_175 = tpu.memref_slice %arg7[%rem3A_142, %dma_start3A_173, %dma_start3A_174] : memref<7x1280x128xf32, #tpu.memory_space<vmem_shared>> -> memref<1x1280x128xf32, #tpu.memory_space<vmem_shared>>
      %dma_start3A_176 = tpu.memref_squeeze %dma_start3A_175 : memref<1x1280x128xf32, #tpu.memory_space<vmem_shared>> -> memref<1280x128xf32, #tpu.memory_space<vmem_shared>>
      %dma_start3A_177 = arith.constant 0 : i32
      %dma_start3A_178 = tpu.memref_slice %dma_start3A_176[%multiple_of3A_158, %dma_start3A_177] : memref<1280x128xf32, #tpu.memory_space<vmem_shared>> -> memref<80x128xf32, #tpu.memory_space<vmem_shared>>
      %dma_start3A_179 = tpu.memref_slice %arg9[%rem3A_140] : memref<4x!tpu.dma_semaphore, #tpu.memory_space<semaphore_mem>> -> memref<1x!tpu.dma_semaphore, #tpu.memory_space<semaphore_mem>>
      %dma_start3A_180 = tpu.memref_squeeze %dma_start3A_179 : memref<1x!tpu.dma_semaphore, #tpu.memory_space<semaphore_mem>> -> memref<!tpu.dma_semaphore, #tpu.memory_space<semaphore_mem>>
      %dma_start3A_181 = arith.constant 0 : i32
      %dma_start3A_182 = arith.constant 0 : i32
      %dma_start3A_183 = tpu.memref_slice %arg7[%rem3A_142, %dma_start3A_181, %dma_start3A_182] : memref<7x1280x128xf32, #tpu.memory_space<vmem_shared>> -> memref<1x1280x128xf32, #tpu.memory_space<vmem_shared>>
      %dma_start3A_184 = tpu.memref_squeeze %dma_start3A_183 : memref<1x1280x128xf32, #tpu.memory_space<vmem_shared>> -> memref<1280x128xf32, #tpu.memory_space<vmem_shared>>
      %dma_start3A_185 = arith.constant 0 : i32
      %dma_start3A_186 = tpu.memref_slice %dma_start3A_184[%multiple_of3A_158, %dma_start3A_185] : memref<1280x128xf32, #tpu.memory_space<vmem_shared>> -> memref<80x128xf32, #tpu.memory_space<vmem_shared>>
      %dma_start3A_187 = arith.constant 0 : i32
      %dma_start3A_188 = arith.constant 0 : i32
      %dma_start3A_189 = tpu.memref_slice %arg6[%rem3A_140, %dma_start3A_187, %dma_start3A_188] : memref<4x80x128xf32, #tpu.memory_space<vmem>> -> memref<1x80x128xf32, #tpu.memory_space<vmem>>
      %dma_start3A_190 = tpu.memref_squeeze %dma_start3A_189 : memref<1x80x128xf32, #tpu.memory_space<vmem>> -> memref<80x128xf32, #tpu.memory_space<vmem>>
      tpu.enqueue_dma source(%dma_start3A_190 : memref<80x128xf32, #tpu.memory_space<vmem>>) target(%dma_start3A_186 : memref<80x128xf32, #tpu.memory_space<vmem_shared>>) target_semaphore(%dma_start3A_180 : memref<!tpu.dma_semaphore, #tpu.memory_space<semaphore_mem>>)
      %add3A_191 = arith.constant 3 : i32
      %add3A_192 = arith.addi %scan3A_138, %add3A_191 : i32
      %lt3A_193 = arith.constant 80 : i32
      %lt3A_194 = arith.cmpi slt, %add3A_192, %lt3A_193 : i32
      %convert_element_type3A_195 = arith.extui %lt3A_194 : i1 to i32
      %cond3A_196 = arith.constant 0 : i32
      %cond3A_197 = arith.cmpi ne, %convert_element_type3A_195, %cond3A_196 : i32
      scf.if %cond3A_197 {
        %add3A_199 = arith.constant 3 : i32
        %add3A_200 = arith.addi %scan3A_138, %add3A_199 : i32
        %add3A_201 = arith.constant 3 : i32
        %add3A_202 = arith.addi %scan3A_138, %add3A_201 : i32
        %rem3A_203 = arith.constant 4 : i32
        %rem3A_204 = arith.remsi %add3A_202, %rem3A_203 : i32
        %mul3A_205 = arith.constant 80 : i32
        %mul3A_206 = arith.muli %add3A_200, %mul3A_205 : i32
        %multiple_of3A_207 = tpu.assume_multiple %mul3A_206, 80 : i32
        %dma_start3A_208 = arith.constant 0 : i32
        %dma_start3A_209 = arith.constant 0 : i32
        %dma_start3A_210 = tpu.memref_slice %arg6[%rem3A_204, %dma_start3A_208, %dma_start3A_209] : memref<4x80x128xf32, #tpu.memory_space<vmem>> -> memref<1x80x128xf32, #tpu.memory_space<vmem>>
        %dma_start3A_211 = tpu.memref_squeeze %dma_start3A_210 : memref<1x80x128xf32, #tpu.memory_space<vmem>> -> memref<80x128xf32, #tpu.memory_space<vmem>>
        %dma_start3A_212 = tpu.memref_slice %arg5[%multiple_of3A_207] : memref<6400xi32, #tpu.memory_space<vmem>> -> memref<80xi32, #tpu.memory_space<vmem>>
        %dma_start3A_213 = arith.constant 0 : i32
        %dma_start3A_214 = arith.constant 0 : i32
        %dma_start3A_215 = tpu.memref_slice %arg3[%dma_start3A_213, %dma_start3A_214] : memref<100000x128xf32, #tpu.memory_space<hbm>> -> memref<100000x128xf32, #tpu.memory_space<hbm>>
        %dma_start3A_216 = tpu.memref_slice %arg8[%rem3A_204] : memref<4x!tpu.dma_semaphore, #tpu.memory_space<semaphore_mem>> -> memref<1x!tpu.dma_semaphore, #tpu.memory_space<semaphore_mem>>
        %dma_start3A_217 = tpu.memref_squeeze %dma_start3A_216 : memref<1x!tpu.dma_semaphore, #tpu.memory_space<semaphore_mem>> -> memref<!tpu.dma_semaphore, #tpu.memory_space<semaphore_mem>>
        tpu.enqueue_indirect_dma source(%dma_start3A_215 : memref<100000x128xf32, #tpu.memory_space<hbm>>) target(%dma_start3A_211 : memref<80x128xf32, #tpu.memory_space<vmem>>) offsets(%dma_start3A_212 : memref<80xi32, #tpu.memory_space<vmem>>) semaphore(%dma_start3A_217 : memref<!tpu.dma_semaphore, #tpu.memory_space<semaphore_mem>>)
      } else {
      }
      %scan3A_198 = arith.constant 0 : i32
      scf.yield %scan3A_198 : i32
    }
    %scan3A_49 = arith.constant 80 : i32
    %mul3A_50 = arith.constant 80 : i32
    %mul3A_51 = arith.muli %arg1, %mul3A_50 : i32
    %multiple_of3A_52 = tpu.assume_multiple %mul3A_51, 80 : i32
    %dma_wait3A = arith.constant 3 : i32
    %dma_wait3A_53 = arith.constant 2 : i32
    %dma_wait3A_54 = arith.constant 3 : i32
    %dma_wait3A_55 = arith.constant 0 : i32
    %dma_wait3A_56 = arith.constant 0 : i32
    %dma_wait3A_57 = tpu.memref_slice %arg6[%dma_wait3A, %dma_wait3A_55, %dma_wait3A_56] : memref<4x80x128xf32, #tpu.memory_space<vmem>> -> memref<1x80x128xf32, #tpu.memory_space<vmem>>
    %dma_wait3A_58 = tpu.memref_squeeze %dma_wait3A_57 : memref<1x80x128xf32, #tpu.memory_space<vmem>> -> memref<80x128xf32, #tpu.memory_space<vmem>>
    %dma_wait3A_59 = arith.constant 0 : i32
    %dma_wait3A_60 = arith.constant 0 : i32
    %dma_wait3A_61 = tpu.memref_slice %arg7[%dma_wait3A_53, %dma_wait3A_59, %dma_wait3A_60] : memref<7x1280x128xf32, #tpu.memory_space<vmem_shared>> -> memref<1x1280x128xf32, #tpu.memory_space<vmem_shared>>
    %dma_wait3A_62 = tpu.memref_squeeze %dma_wait3A_61 : memref<1x1280x128xf32, #tpu.memory_space<vmem_shared>> -> memref<1280x128xf32, #tpu.memory_space<vmem_shared>>
    %dma_wait3A_63 = arith.constant 0 : i32
    %dma_wait3A_64 = tpu.memref_slice %dma_wait3A_62[%multiple_of3A_52, %dma_wait3A_63] : memref<1280x128xf32, #tpu.memory_space<vmem_shared>> -> memref<80x128xf32, #tpu.memory_space<vmem_shared>>
    %dma_wait3A_65 = tpu.memref_slice %arg9[%dma_wait3A_54] : memref<4x!tpu.dma_semaphore, #tpu.memory_space<semaphore_mem>> -> memref<1x!tpu.dma_semaphore, #tpu.memory_space<semaphore_mem>>
    %dma_wait3A_66 = tpu.memref_squeeze %dma_wait3A_65 : memref<1x!tpu.dma_semaphore, #tpu.memory_space<semaphore_mem>> -> memref<!tpu.dma_semaphore, #tpu.memory_space<semaphore_mem>>
    %dma_wait3A_67 = arith.constant 0 : i32
    %dma_wait3A_68 = arith.constant 0 : i32
    %dma_wait3A_69 = tpu.memref_slice %arg7[%dma_wait3A_53, %dma_wait3A_67, %dma_wait3A_68] : memref<7x1280x128xf32, #tpu.memory_space<vmem_shared>> -> memref<1x1280x128xf32, #tpu.memory_space<vmem_shared>>
    %dma_wait3A_70 = tpu.memref_squeeze %dma_wait3A_69 : memref<1x1280x128xf32, #tpu.memory_space<vmem_shared>> -> memref<1280x128xf32, #tpu.memory_space<vmem_shared>>
    %dma_wait3A_71 = arith.constant 0 : i32
    %dma_wait3A_72 = tpu.memref_slice %dma_wait3A_70[%multiple_of3A_52, %dma_wait3A_71] : memref<1280x128xf32, #tpu.memory_space<vmem_shared>> -> memref<80x128xf32, #tpu.memory_space<vmem_shared>>
    %dma_wait3A_73 = arith.constant 0 : i32
    %dma_wait3A_74 = arith.constant 0 : i32
    %dma_wait3A_75 = tpu.memref_slice %arg6[%dma_wait3A, %dma_wait3A_73, %dma_wait3A_74] : memref<4x80x128xf32, #tpu.memory_space<vmem>> -> memref<1x80x128xf32, #tpu.memory_space<vmem>>
    %dma_wait3A_76 = tpu.memref_squeeze %dma_wait3A_75 : memref<1x80x128xf32, #tpu.memory_space<vmem>> -> memref<80x128xf32, #tpu.memory_space<vmem>>
    tpu.wait_dma2 semaphore(%dma_wait3A_66 : memref<!tpu.dma_semaphore, #tpu.memory_space<semaphore_mem>>) src(%dma_wait3A_76 : memref<80x128xf32, #tpu.memory_space<vmem>>) dst(%dma_wait3A_72 : memref<80x128xf32, #tpu.memory_space<vmem_shared>>)
    %semaphore_signal3A = arith.constant 2 : i32
    %semaphore_signal3A_77 = arith.constant 1 : i32
    %semaphore_signal3A_78 = tpu.memref_slice %arg10[%semaphore_signal3A] : memref<7x!tpu.semaphore, #tpu.memory_space<semaphore_mem, sc_scalar_subcore>> -> memref<1x!tpu.semaphore, #tpu.memory_space<semaphore_mem, sc_scalar_subcore>>
    %semaphore_signal3A_79 = tpu.memref_squeeze %semaphore_signal3A_78 : memref<1x!tpu.semaphore, #tpu.memory_space<semaphore_mem, sc_scalar_subcore>> -> memref<!tpu.semaphore, #tpu.memory_space<semaphore_mem, sc_scalar_subcore>>
    tpu.sem_signal %semaphore_signal3A_79, %semaphore_signal3A_77 core_id %arg0 : memref<!tpu.semaphore, #tpu.memory_space<semaphore_mem, sc_scalar_subcore>>
    return
  }
}

</mosaic_0001>

<sc_bundles>
// kernel: kernel.3.cloned.1.call-start
scs
__scs_entry_jumppad:
0x0: {  	(pc) =	sbr.rel $0x88, $3  }
0x1: {  	(tag) =	ssettag $0x0;
	lr =	simm.s32 $0x1  }
0x2: {  	[smem:$0x3F9F] =	sst lr;
	_ =	strace $0xD0000000  }
0x3: {  	_ = 	snop  }
0x4: {  	_ = 	snop  }
0x5: {  	_ = 	snop  }
0x6: {  	_ = 	snop  }
0x7: {  	_ = 	snop  }
__scs_overlays_trampoline_lowered:
0x8: {  	[smem:$0x3FAE] =	sst s0  }
0x9: {  	[smem:$0x3FAF] =	sst s1  }
0xa: {  	[smem:$0x3FB0] =	sst s2  }
0xb: {  	[smem:$0x3FB1] =	sst s3  }
0xc: {  	[smem:$0x3FB2] =	sst s4  }
0xd: {  	[smem:$0x3FB3] =	sst s5  }
0xe: {  	[smem:$0x3FB4] =	sst s6  }
0xf: {  	[smem:$0x3FB5] =	sst s7  }
0x10: {  	[smem:$0x3FB6] =	sst s8  }
0x11: {  	[smem:$0x3FB7] =	sst s9;
	s0 =	simm.s32 @!p0 $0x0  }
0x12: {  	s1 =	sld [smem:$0x3F9D];
	s0 =	simm.s32 @p0 $0x1  }
0x13: {  	[smem:$0x3FB8] =	sst s0;
	s0 =	simm.s32 @!p1 $0x0  }
0x14: {  	s2 =	sld [smem:$0x3F9C];
	s0 =	simm.s32 @p1 $0x1  }
0x15: {  	[smem:$0x3FB9] =	sst s0;
	s0 =	simm.s32 @!p2 $0x0  }
0x16: {  	s3 =	sld [smem:$0x3FDB];
	s0 =	simm.s32 @p2 $0x1  }
0x17: {  	s4 =	simm.s32 $0x1BF5;
	[smem:$0x3FBB] =	sst s0  }
0x18: {  	s0 =	sld [smem:$0x3F9E];
	_ =	swait.ge [sflag:s4], $0x0  }
0x19: {  	s7 =	sld [smem:$0x3F9F]  }
0x1a: {  	s8 =	sadd.s32 $0xFFFFE003, lr  }
0x1b: {  	s9 =	sadd.s32 $0xFFFFFEF7, lr;
	s5 =	simm.s32 $0xFFFFFFFF;
	p2 =	slt.u32 s8, $0xFFFFF086  }
0x1c: {  	p1 =	slt.u32 s9, $0xF7A;
	s5 =	simm.s32 @!p2 $0x0  }
0x1d: {  	s5 =	simm.s32 @p1 $0x1;
	p0 =	seq.s32 s7, s2  }
0x1e: {  	s7 =	smul.u32 @!p0 $0xF7A, s2;
	p2 =	seq.s32 @!p0 s5, $0x0  }
0x1f: {  	s9 =	smul.u32 $0xF7A, s1;
	s8 =	simm.s32 @!p0 $0x1BF5;
	p2 =	por !p2, p0  }
0x20: {  	[sflag:s8] =	ssyncset.s32 @!p0 $0xFFFFF086;
	s6 =	sadd.s32 @!p0 s3, s7;
	s7 =	simm.s32 @!p0 $0x108  }
0x21: {  	s3 =	sadd.s32 s3, s9;
	s6 =	sadd.s32 @!p0 $0x88, s6;
	s7 =	simm.s32 @p2 $0x1082  }
0x22: {  	[simem:s7], [sflag:s8] =	dma.local @!p0 [hbm:s6], $0xF7A  }
0x23: {  	s9 =	sor.u32 $0xD0000000, s2;
	s6 =	simm.s32 $0x108;
	_ =	swait.ge @!p0 [sflag:s8], $0x0  }
0x24: {  	s3 =	sadd.s32 $0x88, s3;
	s6 =	simm.s32 @!p1 $0x1082;
	[sflag:s4] =	ssyncset.s32 $0xFFFFF086  }
0x25: {  	[simem:s6], [sflag:s4] =	dma.local [hbm:s3], $0xF7A  }
0x26: {  	[smem:$0x3F9F] =	sst s1;
	(tag) =	ssettag s2;
	_ =	strace s9  }
0x27: {  	s1 =	sld [smem:$0x3FAF]  }
0x28: {  	s2 =	sld [smem:$0x3FB0]  }
0x29: {  	s4 =	sld [smem:$0x3FB2]  }
0x2a: {  	p0 =	seq.s32 s5, $0x0;
	s5 =	sld [smem:$0x3FB3]  }
0x2b: {  	s6 =	sld [smem:$0x3FB4]  }
0x2c: {  	s7 =	sld [smem:$0x3FB5]  }
0x2d: {  	s3 =	simm.s32 $0x108;
	s8 =	sld [smem:$0x3FB6]  }
0x2e: {  	s3 =	simm.s32 @!p0 $0x1082;
	s9 =	sld [smem:$0x3FB7]  }
0x2f: {  	lr =	sadd.s32 s0, s3;
	s0 =	sld [smem:$0x3FAE]  }
0x30: {  	s3 =	sld [smem:$0x3FB1]  }
0x31: {  	[smem:$0x3FBA] =	sst s10  }
0x32: {  	s10 =	sld [smem:$0x3FB8];
	_ =	sdelay $0x3  }
0x33: {  	p0 =	seq.s32 s10, $0x1;
	s10 =	sld [smem:$0x3FBA];
	_ =	sdelay $0x3  }
0x34: {  	[smem:$0x3FBA] =	sst s10  }
0x35: {  	s10 =	sld [smem:$0x3FB9];
	_ =	sdelay $0x3  }
0x36: {  	p1 =	seq.s32 s10, $0x1;
	s10 =	sld [smem:$0x3FBA];
	_ =	sdelay $0x3  }
0x37: {  	[smem:$0x3FBA] =	sst s10  }
0x38: {  	s10 =	sld [smem:$0x3FBB]  }
0x39: {  	_ = 	snop;
	(pc) =	sbr.ind lr, $3  }
0x3a: {  	_ = 	snop  }
0x3b: {  	_ = 	snop  }
0x3c: {  	p2 =	seq.s32 s10, $0x1;
	s10 =	sld [smem:$0x3FBA]  }
0x3d: {  	_ =	shalt  }
0x3e: {  	_ =	shalt  }
0x3f: {  	_ =	shalt  }
0x40: {  	_ =	shalt  }
0x41: {  	_ =	shalt  }
0x42: {  	_ =	shalt  }
0x43: {  	_ =	shalt  }
0x44: {  	_ =	shalt  }
0x45: {  	_ =	shalt  }
0x46: {  	_ =	shalt  }
0x47: {  	_ =	shalt  }
0x48: {  	_ =	shalt  }
0x49: {  	_ =	shalt  }
0x4a: {  	_ =	shalt  }
0x4b: {  	_ =	shalt  }
0x4c: {  	_ =	shalt  }
0x4d: {  	_ =	shalt  }
0x4e: {  	_ =	shalt  }
0x4f: {  	_ =	shalt  }
0x50: {  	_ =	shalt  }
0x51: {  	_ =	shalt  }
0x52: {  	_ =	shalt  }
0x53: {  	_ =	shalt  }
0x54: {  	_ =	shalt  }
0x55: {  	_ =	shalt  }
0x56: {  	_ =	shalt  }
0x57: {  	_ =	shalt  }
0x58: {  	_ =	shalt  }
0x59: {  	_ =	shalt  }
0x5a: {  	_ =	shalt  }
0x5b: {  	_ =	shalt  }
0x5c: {  	_ =	shalt  }
0x5d: {  	_ =	shalt  }
0x5e: {  	_ =	shalt  }
0x5f: {  	_ =	shalt  }
0x60: {  	_ =	shalt  }
0x61: {  	_ =	shalt  }
0x62: {  	_ =	shalt  }
0x63: {  	_ =	shalt  }
0x64: {  	_ =	shalt  }
0x65: {  	_ =	shalt  }
0x66: {  	_ =	shalt  }
0x67: {  	_ =	shalt  }
0x68: {  	_ =	shalt  }
0x69: {  	_ =	shalt  }
0x6a: {  	_ =	shalt  }
0x6b: {  	_ =	shalt  }
0x6c: {  	_ =	shalt  }
0x6d: {  	_ =	shalt  }
0x6e: {  	_ =	shalt  }
0x6f: {  	_ =	shalt  }
0x70: {  	_ =	shalt  }
0x71: {  	_ =	shalt  }
0x72: {  	_ =	shalt  }
0x73: {  	_ =	shalt  }
0x74: {  	_ =	shalt  }
0x75: {  	_ =	shalt  }
0x76: {  	_ =	shalt  }
0x77: {  	_ =	shalt  }
0x78: {  	_ =	shalt  }
0x79: {  	_ =	shalt  }
0x7a: {  	_ =	shalt  }
0x7b: {  	_ =	shalt  }
0x7c: {  	_ =	shalt  }
0x7d: {  	_ =	shalt  }
0x7e: {  	_ =	shalt  }
0x7f: {  	_ =	shalt  }
0x80: {  	_ =	shalt  }
0x81: {  	_ =	shalt  }
0x82: {  	_ =	shalt  }
0x83: {  	_ =	shalt  }
0x84: {  	_ =	shalt  }
0x85: {  	_ =	shalt  }
0x86: {  	_ =	shalt  }
0x87: {  	_ =	shalt  }
.Lfunc_end0:
.L_simem_size_0:
called_computation_lowered:
.L_overlay_start_0:
0x88: {  	s2 =	sld [smem:$0x3FD9]  }
0x89: {  	s3 =	sld [smem:$0x3FFE];
	_ =	sdelay $0x1  }
0x8a: {  	s1 =	srdreg.scid  }
0x8b: {  	s0 =	sand.u32 $0x1, s1  }
0x8c: {  	s9 =	sshll.u32 s0, $0xA;
	s2 =	sadd.s32 s3, s2  }
0x8d: {  	s2 =	sadd.s32 s2, s9  }
0x8e: {  	s10 =	simm.s32 $0x0;
	[smem:$0x3FC6] =	sst s2  }
0x8f: {  	[smem:$0xF] =	sst s10  }
0x90: {  	s4 =	sld [smem:$0x3FC8]  }
0x91: {  	s2 =	sld [smem:$0x3FD0];
	(tm) =	ssettm $0x1  }
0x92: {  	s5 =	sld [smem:$0x3FFB];
	_ =	sdelay $0x3  }
0x93: {  	_ =	strace s5  }
0x94: {  	s5 =	sld [smem:$0x3FFC];
	_ =	sdelay $0x3  }
0x95: {  	_ =	strace s5  }
0x96: {  	s5 =	sld [smem:$0x3FFD];
	_ =	sdelay $0x3  }
0x97: {  	_ =	strace s5  }
0x98: {  	_ =	strace $0x8FFFFFFF  }
0x99: {  	s11 =	sld [smem:$0x3FDB];
	_ =	sdelay $0x2  }
0x9a: {  	s6 =	simm.s32 $_scs_section_size;
	s7 =	simm.s32 $_tile_overlayer_lowered  }
0x9b: {  	s12 =	simm.s32 $_size__tile_overlayer_lowered;
	s7 =	sshll.u32 s7, $0x1;
	s5 =	sadd.s32 s6, s11  }
0x9c: {  	s8 =	simm.s32 $0x1BFF;
	s6 =	sshll.u32 s12, $0x1;
	s7 =	sadd.s32 s7, s5  }
0x9d: {  	[timem:s10], [sflag:s8] =	dma.local [hbm:s7], s6  }
0x9e: {  	_ =	swait.ge [sflag:s8], s6  }
0x9f: {  	s6 =	ssub.s32 $0x0, s6;
	[sflag:s8] =	ssyncset.done $0x0  }
0xa0: {  	[sflag:s8] =	ssyncadd.s32 s6;
	_ =	sdelay $0x1  }
0xa1: {  	s13 =	simm.s32 $0x1B8B  }
0xa2: {  	_ =	swait.ge [sflag:s13], $0x1  }
0xa3: {  	[sflag:s13] =	ssyncset.done $0x0  }
0xa4: {  	s15 =	simm.s32 $0x1B8E;
	s14 =	sld [smem:$0x3FFE];
	[sflag:s13] =	ssyncadd.s32 $0xFFFFFFFF  }
0xa5: {  	s16 =	simm.s32 $execute0_lowered;
	s18 =	smul.u32 $0x25, s10;
	[smem:$0x3FD2] =	sst s15  }
0xa6: {  	s7 =	sshll.u32 s16, $0x1;
	_ =	strace $0x80000046;
	[dreg:$0x1] =	wrdreg $0xFFFFFFFF  }
0xa7: {  	s17 =	simm.s32 $_size_execute0_lowered;
	s5 =	sadd.s32 s5, s7;
	[dreg:$0x0] =	wrdreg $0x0  }
0xa8: {  	s19 =	sshrl.u32 s18, $0x8;
	s7 =	sshll.u32 s17, $0x1;
	[dreg:$0x2] =	wrdreg s5  }
0xa9: {  	p2 =	por $0x1, $0x1;
	s20 =	ssub.s32 $0x0, s19;
	[dreg:$0x3] =	wrdreg s7  }
0xaa: {  	s8 =	simm.s32 @!p2 $0xFFFFFFFE;
	s7 =	sand.u32 $0xFE, s20;
	[dreg:$0x4] =	wrdreg $0xC0  }
0xab: {  	s8 =	sand.u32 @!p2 $0xFF, s8;
	_ =	task [dreg:s10], $0x5FFFF;
	s7 =	sshrl.u32 s7, $0x1  }
0xac: {  	[dreg:$0x1] =	wrdreg $0xFFFFFFFF;
	s5 =	sadd.s32 s19, s7;
	s7 =	smul.u32 @!p2 $0x25, s8  }
0xad: {  	s23 =	smul.u32 $0x190000, s0;
	[dreg:$0x0] =	wrdreg $0x60;
	s5 =	sand.u32 $0xFC, s5  }
0xae: {  	[dreg:$0x2] =	wrdreg s14;
	s21 =	sshrl.u32 s5, $0x2;
	s5 =	sshrl.u32 @!p2 s7, $0x8  }
0xaf: {  	[dreg:$0x3] =	wrdreg s4;
	s4 =	smul.u32 $0x7, s21;
	s6 =	ssub.s32 @!p2 $0xFFFFFFFE, s5  }
0xb0: {  	s12 =	sadd.s32 s23, s2;
	s6 =	sand.u32 @!p2 $0xFE, s6  }
0xb1: {  	[dreg:$0x4] =	wrdreg $0xB9000;
	s22 =	ssub.s32 $0x0, s4;
	s4 =	sshrl.u32 @!p2 s6, $0x1  }
0xb2: {  	[dreg:$0x5] =	wrdreg $0x9;
	s3 =	sand.u32 $0xFF, s22;
	s4 =	sadd.s32 @!p2 s5, s4  }
0xb3: {  	_ =	task.clear_ibuf [dreg:s10], $0x6FFFF;
	s25 =	smul.u32 $0xA0000, s3;
	s4 =	sshrl.u32 @!p2 s4, $0x2  }
0xb4: {  	s24 =	sadd.s32 $0xA, s3;
	s3 =	sadd.s32 $0x11, s3;
	s2 =	smul.u32 @!p2 $0x7, s4  }
0xb5: {  	_ =	swait.ge [sflag:s24], $0x10;
	s4 =	simm.s32 $0x1;
	s26 =	sshrl.u32 s25, $0x2  }
0xb6: {  	[sflag:s24] =	ssyncset.done $0x0;
	s28 =	sadd.s32 $0xB9000, s26;
	s2 =	ssub.s32 @!p2 $0xFFFFFFFE, s2  }
0xb7: {  	[sflag:s24] =	ssyncadd.s32 $0xFFFFFFF0;
	s5 =	sshrl.u32 s28, $0x3;
	s2 =	sand.u32 @!p2 $0xFF, s2  }
0xb8: {  	[hbm:s12], [sflag:s3] =	dma.local [spmem:s5], $0x5000  }
0xb9: {  	s29 =	smul.u32 $0x25, s4;
	s6 =	sadd.s32 @!p2 $0x11, s2  }
0xba: {  	p0 =	por $0x1, $0x1;
	p1 =	por p2, p2;
	_ =	swait.ge @!p2 [sflag:s6], $0x5000  }
0xbb: {  	s30 =	sand.u32 $0x3, s1;
	s5 =	sshrl.u32 s29, $0x8;
	[sflag:s6] =	ssyncset.done @!p1 $0x0  }
0xbc: {  	s3 =	sor.u32 $0x4, s30;
	s31 =	ssub.s32 $0x1, s5;
	[sflag:s6] =	ssyncadd.s32 @!p1 $0xFFFFB000  }
0xbd: {  	s7 =	sand.u32 $0xFE, s31;
	s6 =	simm.s32 @!p0 $0xFFFFFFFF;
	s9 =	sld @!p1 [smem:$0x0]  }
0xbe: {  	s8 =	sshll.u32 @!p2 s3, $0xE;
	s7 =	sshrl.u32 s7, $0x1;
	s10 =	sand.u32 @!p0 $0xFF, s6  }
0xbf: {  	s11 =	sor.u32 @!p2 s8, s2;
	s5 =	sadd.s32 s5, s7;
	s8 =	smul.u32 @!p0 $0x25, s10  }
0xc0: {  	s2 =	sshrl.u32 s1, $0x2;
	s7 =	simm.s32 $0x2;
	s5 =	sand.u32 $0xFC, s5  }
0xc1: {  	s5 =	sshrl.u32 s5, $0x2;
	s8 =	sshrl.u32 @!p0 s8, $0x8;
	s10 =	sadd.s32 @!p1 s2, s9  }
0xc2: {  	s9 =	smul.u32 $0x7, s5;
	s5 =	ssub.s32 @!p0 $0xFFFFFFFF, s8;
	s13 =	sshll.u32 @!p1 s10, $0x11  }
0xc3: {  	s10 =	sand.u32 @!p0 $0xFE, s5;
	s5 =	sadd.s32 $0x5000, s12;
	s11 =	sor.u32 @!p1 s13, s11  }
.LBB1_1:
0xc4: {  	s9 =	ssub.s32 s4, s9  }
0xc5: {  	s10 =	sshrl.u32 @!p0 s10, $0x1;
	s11 =	sadd.s32 @!p1 $0x1C09, s11;
	s4 =	smov.u32 s7  }
0xc6: {  	[sflag:s11] =	ssyncadd.remote.s32 @!p1 $0x1  }
0xc7: {  	s9 =	sand.u32 $0xFF, s9;
	s8 =	sadd.s32 @!p0 s8, s10  }
0xc8: {  	s10 =	sadd.s32 $0xA, s9;
	s11 =	smul.u32 $0xA0000, s9;
	s8 =	sshrl.u32 @!p0 s8, $0x2  }
0xc9: {  	s7 =	sadd.s32 $0x1, s7;
	s8 =	smul.u32 @!p0 $0x7, s8;
	_ =	swait.ge [sflag:s10], $0x10  }
0xca: {  	s12 =	sshll.u32 @!p0 s3, $0xE;
	s11 =	sshrl.u32 s11, $0x2;
	[sflag:s10] =	ssyncset.done $0x0  }
0xcb: {  	s6 =	ssub.s32 @!p0 s6, s8;
	[sflag:s10] =	ssyncadd.s32 $0xFFFFFFF0;
	s10 =	sadd.s32 $0xB9000, s11  }
0xcc: {  	s8 =	sadd.s32 $0x11, s9;
	s6 =	sand.u32 @!p0 $0xFF, s6;
	s9 =	sshrl.u32 s10, $0x3  }
0xcd: {  	[hbm:s5], [sflag:s8] =	dma.local [spmem:s9], $0x5000  }
0xce: {  	s11 =	sor.u32 @!p0 s12, s6;
	s8 =	smul.u32 $0x25, s4;
	s9 =	sadd.s32 @!p0 $0x11, s6  }
0xcf: {  	p2 =	sne.s32 s7, $0x50;
	p1 =	por p0, p0;
	_ =	swait.ge @!p0 [sflag:s9], $0x5000  }
0xd0: {  	s8 =	sshrl.u32 s8, $0x8;
	[sflag:s9] =	ssyncset.done @!p1 $0x0  }
0xd1: {  	p0 =	slt.u32 s4, $0x2;
	s6 =	ssub.s32 s4, s8;
	[sflag:s9] =	ssyncadd.s32 @!p1 $0xFFFFB000  }
0xd2: {  	s9 =	sand.u32 $0xFE, s6;
	s6 =	sadd.s32 @!p0 $0xFFFFFFFE, s4;
	s10 =	sld @!p1 [smem:$0x0]  }
0xd3: {  	s9 =	sshrl.u32 s9, $0x1;
	s12 =	sand.u32 @!p0 $0xFF, s6  }
0xd4: {  	s8 =	sadd.s32 s8, s9;
	s9 =	smul.u32 @!p0 $0x25, s12  }
.Ltmp0:
0xd5: {  	s8 =	sand.u32 $0xFC, s8;
	(pc) =	sbr.rel @p2 .LBB1_1-.Ltmp0, $3  }
0xd6: {  	s12 =	sshrl.u32 s8, $0x2;
	s8 =	sshrl.u32 @!p0 s9, $0x8;
	s10 =	sadd.s32 @!p1 s2, s10  }
0xd7: {  	s9 =	smul.u32 $0x7, s12;
	s12 =	ssub.s32 @!p0 s6, s8;
	s13 =	sshll.u32 @!p1 s10, $0x11  }
0xd8: {  	s5 =	sadd.s32 $0x5000, s5;
	s10 =	sand.u32 @!p0 $0xFE, s12;
	s11 =	sor.u32 @!p1 s13, s11  }
0xd9: {  	s4 =	ssub.s32 s4, s9;
	s7 =	sshrl.u32 @!p0 s10, $0x1;
	s9 =	sadd.s32 @!p1 $0x1C09, s11  }
0xda: {  	s4 =	sand.u32 $0xFF, s4;
	s7 =	sadd.s32 @!p0 s8, s7;
	[sflag:s9] =	ssyncadd.remote.s32 @!p1 $0x1  }
0xdb: {  	s21 =	smul.u32 $0xA0000, s4;
	s7 =	sshrl.u32 @!p0 s7, $0x2  }
0xdc: {  	s20 =	sadd.s32 $0xA, s4;
	s7 =	smul.u32 @!p0 $0x7, s7  }
0xdd: {  	s4 =	sadd.s32 $0x11, s4;
	_ =	swait.ge [sflag:s20], $0x10;
	s9 =	sshrl.u32 s21, $0x2  }
0xde: {  	[sflag:s20] =	ssyncset.done $0x0;
	s22 =	sadd.s32 $0xB9000, s9;
	s6 =	ssub.s32 @!p0 s6, s7  }
0xdf: {  	[sflag:s20] =	ssyncadd.s32 $0xFFFFFFF0;
	s23 =	sshrl.u32 s22, $0x3;
	s6 =	sand.u32 @!p0 $0xFF, s6  }
0xe0: {  	[hbm:s5], [sflag:s4] =	dma.local [spmem:s23], $0x5000  }
0xe1: {  	s4 =	sadd.s32 @!p0 $0x11, s6  }
0xe2: {  	p1 =	por p0, p0;
	_ =	swait.ge @!p0 [sflag:s4], $0x5000  }
0xe3: {  	[sflag:s4] =	ssyncset.done @!p1 $0x0  }
0xe4: {  	[sflag:s4] =	ssyncadd.s32 @!p1 $0xFFFFB000  }
0xe5: {  	s4 =	sld @!p1 [smem:$0x0];
	_ =	sdelay $0x3  }
0xe6: {  	s3 =	sshll.u32 @!p0 s3, $0xE;
	s4 =	sadd.s32 @!p1 s2, s4  }
0xe7: {  	s3 =	sor.u32 @!p0 s3, s6;
	s4 =	sshll.u32 @!p1 s4, $0x11  }
0xe8: {  	s3 =	sor.u32 @!p1 s4, s3  }
0xe9: {  	s3 =	sadd.s32 @!p1 $0x1C09, s3  }
0xea: {  	[sflag:s3] =	ssyncadd.remote.s32 @!p1 $0x1;
	_ =	sdelay $0x1  }
0xeb: {  	s24 =	simm.s32 $0x12  }
0xec: {  	_ =	swait.ge [sflag:s24], $0x5000  }
0xed: {  	[sflag:s24] =	ssyncset.done $0x0  }
0xee: {  	[sflag:s24] =	ssyncadd.s32 $0xFFFFB000;
	_ =	sdelay $0x1  }
0xef: {  	s25 =	simm.s32 $0x13  }
0xf0: {  	_ =	swait.ge [sflag:s25], $0x5000  }
0xf1: {  	[sflag:s25] =	ssyncset.done $0x0  }
0xf2: {  	[sflag:s25] =	ssyncadd.s32 $0xFFFFB000  }
0xf3: {  	_ =	strace $0x90000046  }
0xf4: {  	s26 =	simm.s32 $0x9;
	_ =	strace $0x80000048  }
0xf5: {  	_ =	swait.ge [sflag:s26], $0x1  }
0xf6: {  	[sflag:s26] =	ssyncadd.s32 $0xFFFFFFFF  }
0xf7: {  	_ =	strace $0x90000048  }
0xf8: {  	_ =	sfence  }
0xf9: {  	s28 =	sld [smem:$0x0];
	_ =	sdelay $0x2  }
0xfa: {  	s1 =	sshll.u32 s1, $0xD  }
0xfb: {  	s1 =	sand.u32 $0x4000, s1;
	s29 =	sadd.s32 s2, s28  }
0xfc: {  	s0 =	sor.u32 s1, s0;
	s30 =	sshll.u32 s29, $0x11  }
0xfd: {  	s0 =	sor.u32 s30, s0  }
0xfe: {  	s0 =	sadd.s32 $0x8F2B, s0  }
0xff: {  	[sflag:s0] =	ssyncadd.remote.s32 $0x1  }
0x100: {  	_ =	sfence.sel $0xFFFF  }
0x101: {  	[dreg:$0x0] =	wrdreg $0xFFFFFFFF;
	(pc) =	sbr.abs _section_cstart, $3  }
0x102: {  	s31 =	simm.s32 $0x0;
	[dreg:$0x1] =	wrdreg $0xFFFFFFFF  }
0x103: {  	_ =	task.clear_ibuf [dreg:s31], $0x2FFFF;
	_ =	strace $0x9FFFFFFF  }
0x104: {  	(tm) =	ssettm $0x7FFFFFFF  }
0x105: {  	_ =	shalt  }
tec
execute0_lowered:
.L_overlay_start_1:
0x0: {  	(tag) =	ssettag $0x1  }
0x1: {  	s3 =	rddreg [dreg:$0x0]  }
0x2: {  	s1 =	rddreg [dreg:$0x1]  }
0x3: {  	s4 =	srdreg.scid;
	s6 =	rddreg [dreg:$0x2]  }
0x4: {  	s14 =	stileid.u32;
	s0 =	rddreg [dreg:$0x3]  }
0x5: {  	s2 =	simm.s32 $0x0;
	s9 =	simm.s32 $0x50;
	s10 =	simm.s32 $0x1900  }
0x6: {  	s11 =	simm.s32 $0x4100;
	s12 =	simm.s32 $0xA0;
	s13 =	simm.s32 $0x6900  }
0x7: {  	s15 =	simm.s32 $0x8;
	s16 =	simm.s32 $0x0;
	s5 =	sand.u32 $0x1, s4  }
0x8: {  	[smem:$0x7FF] =	sst s2;
	s8 =	smul.u32 $0xA000, s14;
	s31 =	sand.u32 $0x3, s4  }
0x9: {  	s4 =	sshrl.u32 s4, $0x2;
	p0 =	sne.s32 s14, $0x0;
	s7 =	sshll.u32 s5, $0x4  }
.Ltmp1:
0xa: {  	_ =	strace $0x80000047;
	s7 =	sor.u32 s14, s7;
	(pc) =	sbr.rel .LBB2_1-.Ltmp1, $4  }
0xb: {  	s5 =	ssub.s32 $0x2, s5;
	s8 =	sshrl.u32 s8, $0x2;
	s7 =	smul.u32 $0x320, s7  }
0xc: {  	s30 =	sshrl.u32 s5, $0x1;
	s14 =	simm.s32 $0x100000;
	s6 =	sadd.s32 s8, s6  }
0xd: {  	s8 =	simm.s32 $0x10;
	s3 =	sadd.s32 s7, s3;
	s7 =	ssub.s32 s5, s30  }
0xe: {  	s5 =	sor.u32 $0x4, s31;
	s3 =	sadd.s32 $0x400, s3;
	s7 =	smax.u32 s7, $0x1  }
.LBB2_10:
0xf: {  	_ =	swait.ge [sflag:s15], $0x2800  }
0x10: {  	[sflag:s15] =	ssyncset.done $0x0  }
0x11: {  	[sflag:s15] =	ssyncadd.s32 $0xFFFFD800  }
0x12: {  	[smem:s14], [sflag:$0x0] =	smem.add.s32 $0x0  }
0x13: {  	_ =	swait.done [sflag:s2]  }
0x14: {  	s17 =	ssyncread [sflag:$0x0]  }
0x15: {  	s16 =	sadd.s32 $0x1, s16  }
0x16: {  	p1 =	sne.s32 s16, s7  }
.Ltmp2:
0x17: {  	s17 =	sadd.s32 s4, s17;
	(pc) =	sbr.rel @!p1 .LBB2_11-.Ltmp2, $4  }
0x18: {  	s17 =	sshll.u32 s17, $0x11  }
0x19: {  	[sflag:s2] =	ssyncset.s32 $0x0;
	s17 =	sor.u32 s17, s21  }
0x1a: {  	[sflag:s2] =	ssyncset.done $0x0;
	s17 =	sor.u32 $0xC, s17  }
0x1b: {  	[sflag:s17] =	ssyncadd.remote.s32 $0x1  }
.LBB2_1:
0x1c: {  	[tilespmem:s2], [sflag:$0x10] =	stream.linear.gather [hbm4b:s3+s2], $0x1900, $0x38;
	[tilespmem:$0x1D100] =	vst v63  }
0x1d: {  	_ =	swait.ge [sflag:s8], $0x1900  }
0x1e: {  	[sflag:s8] =	ssyncset.done $0x0  }
0x1f: {  	[sflag:s8] =	ssyncadd.s32 $0xFFFFE700  }
0x20: {  	[tilespmem:s10], [sflag:$0x1] =	stream.indirect.gather [hbm4b:s1+s9], $0x80, s2, s9, $0xb8;
	[tilespmem:$0x1D100] =	vst v63  }
.Ltmp3:
0x21: {  	_ = 	snop;
	(pc) =	sbr.rel .LBB2_2-.Ltmp3, $4  }
0x22: {  	_ = 	snop  }
0x23: {  	[tilespmem:s11], [sflag:$0x2] =	stream.indirect.gather [hbm4b:s1+s9], $0x80, s9, s9, $0xb8;
	[tilespmem:$0x1D100] =	vst v63  }
0x24: {  	s17 =	simm.s32 $0x140;
	s18 =	simm.s32 $0x0  }
0x25: {  	[tilespmem:s13], [sflag:$0x3] =	stream.indirect.gather [hbm4b:s1+s9], $0x80, s12, s9, $0xb8;
	[tilespmem:$0x1D100] =	vst v63  }
.LBB2_6:
0x26: {  	s24 =	smul.u32 $0xA0000, s24;
	_ =	sdelay $0x1  }
0x27: {  	s24 =	sshrl.u32 s24, $0x2  }
0x28: {  	s23 =	sadd.s32 $0x5, s23;
	s24 =	sadd.s32 s24, s6  }
0x29: {  	[spmem:s24] =	stream.linear.scatter [tilespmem:s22], [sflag:s23], $0x2800, $0x38;
	[tilespmem:$0x1D100] =	vst v63  }
.LBB2_8:
0x2a: {  	[tilespmem:s20], [sflag:s19] =	stream.indirect.gather [hbm4b:s1+s9], $0x80, s17, s9, $0xb8;
	[tilespmem:$0x1D100] =	vst v63  }
.LBB2_9:
0x2b: {  	p1 =	slt.u32 s18, $0x4E  }
.Ltmp4:
0x2c: {  	_ = 	snop;
	(pc) =	sbr.rel @!p1 .LBB2_10-.Ltmp4, $3  }
0x2d: {  	_ =	sdelay $0x1  }
0x2e: {  	s19 =	sadd.s32 $0x2, s18  }
0x2f: {  	s17 =	sadd.s32 $0xA0, s17;
	s18 =	smov.u32 s19  }
.LBB2_2:
0x30: {  	s19 =	smul.u32 $0x25, s18;
	_ =	sdelay $0x1  }
0x31: {  	p1 =	seq.s32 s18, $0x0;
	s20 =	sshrl.u32 s19, $0x8  }
0x32: {  	s22 =	sadd.s32 @!p1 $0xFFFFFFFF, s18;
	s19 =	ssub.s32 s18, s20  }
0x33: {  	s21 =	sand.u32 $0x2, s18;
	s24 =	smul.u32 @!p1 $0x25, s22;
	s19 =	sand.u32 $0xFE, s19  }
0x34: {  	s23 =	sshrl.u32 s19, $0x1;
	s19 =	sor.u32 $0x1, s21  }
0x35: {  	s24 =	sshrl.u32 @!p1 s24, $0x8;
	_ =	swait.ge [sflag:s19], $0x2800  }
0x36: {  	s20 =	sadd.s32 s20, s23;
	s23 =	sand.u32 @!p1 $0x3, s22;
	[sflag:s19] =	ssyncset.done $0x0  }
0x37: {  	s25 =	ssub.s32 @!p1 s22, s24;
	s23 =	sadd.s32 @!p1 $0x5, s23;
	[sflag:s19] =	ssyncadd.s32 $0xFFFFD800  }
0x38: {  	s25 =	sand.u32 @!p1 $0xFE, s25;
	_ =	swait.ge @!p1 [sflag:s23], $0x2800  }
0x39: {  	s25 =	sshrl.u32 @!p1 s25, $0x1;
	[sflag:s23] =	ssyncset.done @!p1 $0x0  }
0x3a: {  	s24 =	sadd.s32 @!p1 s24, s25;
	[sflag:s23] =	ssyncadd.s32 @!p1 $0xFFFFD800;
	s23 =	simm.s32 @!p1 $0x100000  }
0x3b: {  	s24 =	sand.u32 @!p1 $0xFC, s24;
	[smem:s23], [sflag:$0x0] =	smem.add.s32 @!p1 $0x0;
	s23 =	simm.s32 @!p1 $0x0  }
0x3c: {  	s24 =	sshrl.u32 @!p1 s24, $0x2;
	_ =	swait.done @!p1 [sflag:s23]  }
0x3d: {  	p2 =	slt.u32 @!p1 s18, $0x7;
	s24 =	smul.u32 @!p1 $0x7, s24;
	s25 =	ssyncread @!p1 [sflag:$0x0]  }
0x3e: {  	s26 =	smul.u32 $0xA000, s21;
	p2 =	por p1, p2;
	s20 =	sand.u32 $0xFC, s20  }
0x3f: {  	s20 =	sshrl.u32 s20, $0x2;
	s22 =	ssub.s32 @!p1 s22, s24;
	s24 =	sshll.u32 @!p1 s5, $0xE  }
.Ltmp5:
0x40: {  	s22 =	sand.u32 @!p1 $0xFF, s22;
	s25 =	sadd.s32 @!p1 s4, s25;
	(pc) =	sbr.rel @p2 .LBB2_12-.Ltmp5, $4  }
0x41: {  	s20 =	smul.u32 $0x7, s20;
	s22 =	sor.u32 @!p1 s24, s22;
	s24 =	sshll.u32 @!p1 s25, $0x11  }
0x42: {  	s26 =	sshrl.u32 s26, $0x2;
	[sflag:s23] =	ssyncset.s32 @!p1 $0x0;
	s22 =	sor.u32 @!p1 s24, s22  }
0x43: {  	s20 =	ssub.s32 s18, s20;
	[sflag:s23] =	ssyncset.done @!p1 $0x0;
	s23 =	sadd.s32 @!p1 $0xA, s22  }
0x44: {  	s22 =	sand.u32 $0xFF, s20;
	s20 =	sadd.s32 $0x1900, s26;
	[sflag:s23] =	ssyncadd.remote.s32 @!p1 $0x1  }
0x45: {  	s23 =	sadd.s32 @!p0 $0x9, s22;
	s31 =	smul.u32 $0xA0000, s22;
	p1 =	sgt.u32 s18, $0x4C  }
.Ltmp6:
0x46: {  	_ =	swait.ge @!p0 [sflag:s23], $0x1;
	(pc) =	sbr.rel @p1 .LBB2_5-.Ltmp6, $4  }
.Ltmp7:
0x47: {  	[sflag:s23] =	ssyncset.done @!p0 $0x0;
	(pc) =	sbr.rel @!p1 .LBB2_4-.Ltmp7, $4  }
0x48: {  	[sflag:s23] =	ssyncadd.s32 @!p0 $0xFFFFFFFF;
	s23 =	sshrl.u32 s31, $0x2  }
0x49: {  	s21 =	sadd.s32 $0x5, s21;
	[bflag:$0x0] =	sbarrier.arrive $0xFFFF;
	s23 =	sadd.s32 s23, s6  }
0x4a: {  	[spmem:s23] =	stream.linear.scatter [tilespmem:s20], [sflag:s21], $0x2800, $0x38;
	[tilespmem:$0x1D100] =	vst v63  }
0x4b: {  	_ = 	snop  }
.LBB2_12:
0x4c: {  	s23 =	smul.u32 $0xA0000, s22;
	_ =	sdelay $0x1  }
0x4d: {  	s23 =	sshrl.u32 s23, $0x2  }
0x4e: {  	s21 =	sadd.s32 $0x5, s21;
	s23 =	sadd.s32 s23, s6  }
0x4f: {  	[spmem:s23] =	stream.linear.scatter [tilespmem:s20], [sflag:s21], $0x2800, $0x38;
	[tilespmem:$0x1D100] =	vst v63  }
.LBB2_4:
0x50: {  	s23 =	sadd.s32 $0xFFFFFFFF, s18  }
0x51: {  	s23 =	sand.u32 $0x3, s23  }
0x52: {  	s24 =	smul.u32 $0xA000, s23;
	_ =	sdelay $0x1  }
0x53: {  	s24 =	sshrl.u32 s24, $0x2  }
0x54: {  	s25 =	sadd.s32 $0xFFFFFFB0, s17;
	s23 =	sadd.s32 $0x1, s23;
	s24 =	sadd.s32 $0x1900, s24  }
0x55: {  	[tilespmem:s24], [sflag:s23] =	stream.indirect.gather [hbm4b:s1+s9], $0x80, s25, s9, $0xb8;
	[tilespmem:$0x1D100] =	vst v63  }
.LBB2_5:
0x56: {  	s24 =	sadd.s32 $0x1, s18  }
0x57: {  	s23 =	sand.u32 $0x3, s24  }
0x58: {  	s25 =	sadd.s32 $0x1, s23  }
0x59: {  	_ =	swait.ge [sflag:s25], $0x2800  }
0x5a: {  	s26 =	smul.u32 $0x25, s24;
	[sflag:s25] =	ssyncset.done $0x0  }
0x5b: {  	[sflag:s25] =	ssyncadd.s32 $0xFFFFD800  }
0x5c: {  	s31 =	sshrl.u32 s26, $0x8;
	_ =	swait.ge [sflag:s21], $0x2800  }
0x5d: {  	s26 =	ssub.s32 s24, s31;
	[sflag:s21] =	ssyncset.done $0x0  }
0x5e: {  	s26 =	sand.u32 $0xFE, s26;
	[sflag:s21] =	ssyncadd.s32 $0xFFFFD800  }
0x5f: {  	s28 =	sshrl.u32 s26, $0x1;
	[smem:s14], [sflag:$0x0] =	smem.add.s32 $0x0  }
0x60: {  	s21 =	sadd.s32 s31, s28;
	_ =	swait.done [sflag:s2]  }
0x61: {  	s21 =	sand.u32 $0xFC, s21;
	s29 =	ssyncread [sflag:$0x0]  }
0x62: {  	s28 =	smul.u32 $0xA000, s23;
	s21 =	sshrl.u32 s21, $0x2  }
0x63: {  	p1 =	sgt.u32 s18, $0x5;
	s30 =	smul.u32 $0x7, s21  }
.Ltmp8:
0x64: {  	s21 =	sshll.u32 s5, $0xE;
	s25 =	sadd.s32 s4, s29;
	(pc) =	sbr.rel @!p1 .LBB2_6-.Ltmp8, $4  }
0x65: {  	s22 =	sor.u32 s21, s22;
	s25 =	sshll.u32 s25, $0x11  }
0x66: {  	s31 =	sshrl.u32 s28, $0x2;
	[sflag:s2] =	ssyncset.s32 $0x0;
	s22 =	sor.u32 s25, s22  }
0x67: {  	[sflag:s2] =	ssyncset.done $0x0;
	s24 =	ssub.s32 s24, s30;
	s25 =	sadd.s32 $0xA, s22  }
0x68: {  	s24 =	sand.u32 $0xFF, s24;
	s22 =	sadd.s32 $0x1900, s31;
	[sflag:s25] =	ssyncadd.remote.s32 $0x1  }
0x69: {  	s25 =	sadd.s32 @!p0 $0x9, s24;
	s31 =	smul.u32 $0xA0000, s24;
	p1 =	sgt.u32 s18, $0x4B  }
.Ltmp9:
0x6a: {  	_ =	swait.ge @!p0 [sflag:s25], $0x1;
	(pc) =	sbr.rel @p1 .LBB2_9-.Ltmp9, $4  }
.Ltmp10:
0x6b: {  	[sflag:s25] =	ssyncset.done @!p0 $0x0;
	(pc) =	sbr.rel @!p1 .LBB2_8-.Ltmp10, $4  }
0x6c: {  	s24 =	sshrl.u32 s31, $0x2;
	[sflag:s25] =	ssyncadd.s32 @!p0 $0xFFFFFFFF  }
0x6d: {  	s23 =	sadd.s32 $0x5, s23;
	s24 =	sadd.s32 s24, s6;
	[bflag:$0x0] =	sbarrier.arrive $0xFFFF  }
0x6e: {  	[spmem:s24] =	stream.linear.scatter [tilespmem:s22], [sflag:s23], $0x2800, $0x38;
	[tilespmem:$0x1D100] =	vst v63  }
0x6f: {  	_ = 	snop  }
.LBB2_11:
0x70: {  	_ =	sfence.sel $0x180000  }
0x71: {  	[bflag:$0x0] =	sbarrier.arrive $0xFFFF  }
0x72: {  	_ =	strace $0x90000047  }
0x73: {  	s0 =	sadd.s32 @!p0 $0x100000, s0;
	[bflag:$0x2] =	sbarrier.arrive $0xFFFF  }
0x74: {  	[sflag:s0] =	ssyncadd.tile.s32 @!p0 $0x1;
	_ =	shalt  }
.Lfunc_end2:
_tile_overlayer_lowered:
.L_overlay_start_2:
0x75: {  	(tag) =	ssettag $0x2  }
0x76: {  	s0 =	rddreg [dreg:$0x0];
	s2 =	stileid.u32  }
0x77: {  	s1 =	rddreg [dreg:$0x1];
	p0 =	sne.s32 s2, $0x0  }
0x78: {  	s3 =	rddreg [dreg:$0x2];
	[bflag:$0x3] =	sbarrier.arrive $0xFFFF;
	s2 =	simm.s32 @!p0 $0x1C10  }
0x79: {  	[timem:s3], [sflag:s2] =	dma.local @!p0 [hbm:s0], s1  }
0x7a: {  	s0 =	simm.s32 @!p0 $0x10  }
0x7b: {  	_ =	swait.ge @!p0 [sflag:s0], s1  }
0x7c: {  	s1 =	ssub.s32 @!p0 $0x0, s1;
	[sflag:s0] =	ssyncset.done @!p0 $0x0  }
0x7d: {  	[sflag:s0] =	ssyncadd.s32 @!p0 s1  }
0x7e: {  	[bflag:$0x3] =	sbarrier.arrive $0xFFFF  }
0x7f: {  	_ =	shalt  }

</sc_bundles>
